<compile_context>
chip_gen: v7x
topology: tpu7x:2x2x1
jax: 0.10.2.dev20260603
libtpu: 0.0.44.dev20260713+nightly
codegen_flags: <defaults>
</compile_context>

<pallas_src>
import functools

import jax
import jax.numpy as jnp
from jax import lax
from jax.experimental import pallas as pl
from jax.experimental.pallas import tpu as pltpu
from jax.experimental.pallas import tpu_sc as plsc

TOTAL = 65536
NC, NS, L = 2, 16, 16
NW = NC * NS
BPW = TOTAL // NW
SIZE = 500000
OFFSET = 500000
H_MOD_32 = 17
H_MOD_15625 = 13886
INV_15625_MOD_32 = 25


def _remap_body(vals, t0, t1, out, v_vm, idx_vm, sem):
    wid = lax.axis_index("s") * NC + lax.axis_index("c")
    base = wid * BPW
    pltpu.sync_copy(vals.at[pl.ds(base, BPW)], v_vm)
    H = BPW // 2

    def _hash(lo):
        @pl.loop(lo, lo + jnp.int32(H), step=jnp.int32(L))
        def _hash_step(o):
            v = v_vm[pl.ds(o, L)]
            r1 = (v * H_MOD_32) & 31
            r2 = ((v % 15625) * H_MOD_15625) % 15625
            k = (((r1 - r2) & 31) * INV_15625_MOD_32) & 31
            idx_vm[pl.ds(o, L)] = r2 + 15625 * k

    descs = []
    for c in range(2):
        c0 = jnp.int32(c * H)
        _hash(c0)
        idx_c = idx_vm.at[pl.ds(c0, H)]
        rows_c = v_vm.at[pl.ds(c0, H)]
        d0 = pltpu.make_async_copy(t0.at[idx_c], rows_c, sem)
        d1 = pltpu.make_async_copy(t1.at[idx_c], rows_c, sem)

        @pl.when(wid < NW // 2)
        def _():
            d0.start()

        @pl.when(wid >= NW // 2)
        def _():
            d1.start()

        descs.append(d0)

    for c in range(2):
        descs[c].wait()
        c0 = jnp.int32(c * H)
        pltpu.sync_copy(v_vm.at[pl.ds(c0, H)],
                        out.at[pl.ds(base + c0, H)])


_remap = functools.partial(
    pl.kernel,
    name="mcc_remap",
    out_type=jax.ShapeDtypeStruct((TOTAL,), jnp.int32),
    mesh=plsc.VectorSubcoreMesh(core_axis_name="c", subcore_axis_name="s"),
    scratch_types=[
        pltpu.VMEM((BPW,), jnp.int32),
        pltpu.VMEM((BPW,), jnp.int32),
        pltpu.SemaphoreType.DMA,
    ],
)(_remap_body)


def kernel(values, lengths, weights, remap_table_0, remap_table_1):
    v32 = values.astype(jnp.int32)
    t0 = remap_table_0.astype(jnp.int32)
    t1 = remap_table_1.astype(jnp.int32)
    out32 = _remap(v32, t0, t1)
    return out32.astype(values.dtype) - OFFSET, lengths, weights

# --- scband reference (transcript-rebuilt; emitter-appended) ---
"""Pipeline reference for scband-sharded-mccremapper-55585466745228 (READ-ONLY COPY).

The authoritative reference and input builder live on the scoring server;
editing this copy changes nothing except your own understanding.
"""

import jax
jax.config.update("jax_enable_x64", True)
import jax.numpy as jnp
import numpy as np

BATCH = 16384
NUM_FEATURES = 4
TABLE_FEATURE_SPLITS = [2, 2]
FNS = ["f0", "f1", "f2", "f3"]
TABLES = ["table_0", "table_1"]
SHARD_SIZES = {"table_0": 500000, "table_1": 500000}
TABLE_OFFSETS = {"table_0": 500000, "table_1": 500000}  # shard_metadata[table][0]
RAW_ID_SPACE = 1000000
HASH_MULT = 2654435761


def setup_inputs(seed: int = 0) -> dict:
    key = jax.random.key(seed)
    k1, k2, k3, k4 = jax.random.split(key, 4)
    total = BATCH * NUM_FEATURES
    values = jax.random.randint(k1, (total,), 0, RAW_ID_SPACE, dtype=jnp.int64)
    lengths = jnp.ones((total,), dtype=jnp.int32)
    weights = jax.random.uniform(k2, (total,), dtype=jnp.float32)
    # per-table ZCH remap tables (state of the managed collision modules):
    # each slot stores a GLOBAL row id within this rank's shard range [offset, offset+size)
    remap_table_0 = jax.random.randint(
        k3, (SHARD_SIZES["table_0"],),
        TABLE_OFFSETS["table_0"], TABLE_OFFSETS["table_0"] + SHARD_SIZES["table_0"],
        dtype=jnp.int64)
    remap_table_1 = jax.random.randint(
        k4, (SHARD_SIZES["table_1"],),
        TABLE_OFFSETS["table_1"], TABLE_OFFSETS["table_1"] + SHARD_SIZES["table_1"],
        dtype=jnp.int64)
    return {
        "values": values,
        "lengths": lengths,
        "weights": weights,
        "remap_table_0": remap_table_0,
        "remap_table_1": remap_table_1,
    }


def reference(values, lengths, weights, remap_table_0, remap_table_1):
    # KJT is feature-major with length 1 per (feature, sample); split by table_feature_splits
    per_table = [s * BATCH for s in TABLE_FEATURE_SPLITS]
    split_points = np.cumsum(per_table)[:-1].tolist()
    value_splits = jnp.split(values, split_points)
    remaps = [remap_table_0, remap_table_1]
    out_vals = []
    for t, v, rt in zip(TABLES, value_splits, remaps):
        size = SHARD_SIZES[t]
        offset = TABLE_OFFSETS[t]
        # managed collision module: hash raw id -> slot, gather remapped GLOBAL id
        slot = (v * HASH_MULT) % size
        remapped_global = jnp.take(rt, slot, axis=0)
        # global_to_local_index: subtract this shard's row offset
        local = remapped_global - offset
        out_vals.append(local)
    values_out = jnp.concatenate(out_vals)  # _cat_jagged_values
    # output KJT: keys=FNS, values=values_out, lengths=input lengths, weights passthrough
    return (values_out, lengths, weights)

if __name__ == "__main__":
    import jax
    _d = setup_inputs()
    print(jax.jit(kernel)(*tuple(_d.values())))

</pallas_src>

<mosaic_0001>
#map = affine_map<(d0, d1) -> (0)>
module attributes {stable_mosaic.version = 14 : i64} {
  func.func @mcc_remap(%arg0: i32, %arg1: i32, %arg2: memref<65536xi32, #tpu.memory_space<hbm>>, %arg3: memref<500000xi32, #tpu.memory_space<hbm>>, %arg4: memref<500000xi32, #tpu.memory_space<hbm>>, %arg5: memref<65536xi32, #tpu.memory_space<hbm>>, %arg6: memref<2048xi32, #tpu.memory_space<vmem>>, %arg7: memref<2048xi32, #tpu.memory_space<vmem>>, %arg8: memref<!tpu.dma_semaphore, #tpu.memory_space<semaphore_mem>>) attributes {dimension_semantics = [#tpu.dimension_semantics<core_parallel>, #tpu.dimension_semantics<subcore_parallel>], iteration_bounds = array<i64: 2, 16>, scalar_prefetch = 0 : i64, scratch_operands = 3 : i64, tpu.core_type = #tpu.core_type<sc_vector_subcore>, window_params = [{transform_indices = #map}, {transform_indices = #map}, {transform_indices = #map}, {transform_indices = #map}]} {
    %mul3A = arith.constant 2 : i32
    %mul3A_0 = arith.muli %arg1, %mul3A : i32
    %add3A = arith.addi %mul3A_0, %arg0 : i32
    %mul3A_1 = arith.constant 2048 : i32
    %mul3A_2 = arith.muli %add3A, %mul3A_1 : i32
    "tpu.region"() ({
      %run_scoped3A_80 = tpu.sem_alloc : memref<!tpu.dma_semaphore, #tpu.memory_space<semaphore_mem>>
      %dma_start3A = tpu.memref_slice %arg2[%mul3A_2] : memref<65536xi32, #tpu.memory_space<hbm>> -> memref<2048xi32, #tpu.memory_space<hbm>>
      %dma_start3A_81 = tpu.memref_slice %arg2[%mul3A_2] : memref<65536xi32, #tpu.memory_space<hbm>> -> memref<2048xi32, #tpu.memory_space<hbm>>
      tpu.enqueue_dma source(%dma_start3A_81 : memref<2048xi32, #tpu.memory_space<hbm>>) target(%arg6 : memref<2048xi32, #tpu.memory_space<vmem>>) target_semaphore(%run_scoped3A_80 : memref<!tpu.dma_semaphore, #tpu.memory_space<semaphore_mem>>)
      %dma_wait3A_82 = tpu.memref_slice %arg2[%mul3A_2] : memref<65536xi32, #tpu.memory_space<hbm>> -> memref<2048xi32, #tpu.memory_space<hbm>>
      %dma_wait3A_83 = tpu.memref_slice %arg2[%mul3A_2] : memref<65536xi32, #tpu.memory_space<hbm>> -> memref<2048xi32, #tpu.memory_space<hbm>>
      tpu.wait_dma2 semaphore(%run_scoped3A_80 : memref<!tpu.dma_semaphore, #tpu.memory_space<semaphore_mem>>) src(%dma_wait3A_83 : memref<2048xi32, #tpu.memory_space<hbm>>) dst(%arg6 : memref<2048xi32, #tpu.memory_space<vmem>>)
      tpu.yield
    }) : () -> ()
    %add3A_3 = arith.constant 0 : i32
    %add3A_4 = arith.constant 1024 : i32
    %add3A_5 = arith.addi %add3A_3, %add3A_4 : i32
    %sub3A = arith.constant 0 : i32
    %sub3A_6 = arith.subi %add3A_5, %sub3A : i32
    %sub3A_7 = arith.constant 16 : i32
    %sub3A_8 = arith.constant 1 : i32
    %sub3A_9 = arith.subi %sub3A_7, %sub3A_8 : i32
    %add3A_10 = arith.addi %sub3A_6, %sub3A_9 : i32
    %div3A = arith.constant 16 : i32
    %div3A_11 = arith.divsi %add3A_10, %div3A : i32
    %while3A = arith.constant 16 : i32
    %while3A_12 = arith.constant 0 : i32
    %while3A_13 = arith.constant 0 : i32
    %while3A_14 = arith.subi %div3A_11, %while3A_13 : i32
    %while3A_15 = arith.addi %while3A_13, %while3A_14 : i32
    %while3A_16 = arith.constant 1 : i32
    %while3A_17 = arith.divsi %while3A_14, %while3A_16 : i32
    %while3A_18 = arith.muli %while3A_17, %while3A_16 : i32
    %while3A_19 = arith.addi %while3A_13, %while3A_18 : i32
    %while3A_20 = arith.constant 1 : i32
    scf.for %while3A_80 = %while3A_13 to %while3A_19 step %while3A_20  : i32 {
      %mul3A_81 = arith.muli %while3A_80, %while3A : i32
      %add3A_82 = arith.addi %while3A_12, %mul3A_81 : i32
      %get3A = arith.index_cast %add3A_82 : i32 to index
      %get3A_83 = tpu.vector_load %arg6[%get3A] {strides = array<i32>} : memref<2048xi32, #tpu.memory_space<vmem>>, vector<16xi32>,
      %get3A_84 = vector.shape_cast %get3A_83 : vector<16xi32> to vector<16xi32>
      %mul3A_85 = arith.constant 17 : i32
      %mul3A_86 = vector.broadcast %mul3A_85 : i32 to vector<16xi32>
      %mul3A_87 = arith.muli %get3A_84, %mul3A_86 : vector<16xi32>
      %and3A = arith.constant 31 : i32
      %and3A_88 = vector.broadcast %and3A : i32 to vector<16xi32>
      %and3A_89 = arith.andi %mul3A_87, %and3A_88 : vector<16xi32>
      %jit3A = arith.constant 15625 : i64
      %convert_element_type3A_90 = arith.trunci %jit3A : i64 to i32
      %eq3A = arith.constant 0 : i32
      %eq3A_91 = arith.cmpi eq, %convert_element_type3A_90, %eq3A : i32
      %jit3A_92 = arith.constant 1 : i32
      %select_n3A = arith.select %eq3A_91, %jit3A_92, %convert_element_type3A_90 : i32
      %rem3A = vector.broadcast %select_n3A : i32 to vector<16xi32>
      %rem3A_93 = arith.remsi %get3A_84, %rem3A : vector<16xi32>
      %ne3A = arith.constant 0 : i32
      %ne3A_94 = vector.broadcast %ne3A : i32 to vector<16xi32>
      %ne3A_95 = arith.cmpi ne, %rem3A_93, %ne3A_94 : vector<16xi32>
      %lt3A_96 = arith.constant 0 : i32
      %lt3A_97 = vector.broadcast %lt3A_96 : i32 to vector<16xi32>
      %lt3A_98 = arith.cmpi slt, %rem3A_93, %lt3A_97 : vector<16xi32>
      %lt3A_99 = arith.constant 0 : i32
      %lt3A_100 = arith.cmpi slt, %select_n3A, %lt3A_99 : i32
      %ne3A_101 = vector.broadcast %lt3A_100 : i1 to vector<16xi1>
      %ne3A_102 = vector.broadcast %ne3A_101 : vector<16xi1> to vector<16xi1>
      %ne3A_103 = arith.xori %lt3A_98, %ne3A_102 : vector<16xi1>
      %and3A_104 = arith.andi %ne3A_103, %ne3A_95 : vector<16xi1>
      %add3A_105 = vector.broadcast %select_n3A : i32 to vector<16xi32>
      %add3A_106 = arith.addi %rem3A_93, %add3A_105 : vector<16xi32>
      %select_n3A_107 = arith.select %and3A_104, %add3A_106, %rem3A_93 : vector<16xi1>, vector<16xi32>
      %mul3A_108 = arith.constant 13886 : i32
      %mul3A_109 = vector.broadcast %mul3A_108 : i32 to vector<16xi32>
      %mul3A_110 = arith.muli %select_n3A_107, %mul3A_109 : vector<16xi32>
      %jit3A_111 = arith.constant 15625 : i64
      %convert_element_type3A_112 = arith.trunci %jit3A_111 : i64 to i32
      %eq3A_113 = arith.constant 0 : i32
      %eq3A_114 = arith.cmpi eq, %convert_element_type3A_112, %eq3A_113 : i32
      %jit3A_115 = arith.constant 1 : i32
      %select_n3A_116 = arith.select %eq3A_114, %jit3A_115, %convert_element_type3A_112 : i32
      %rem3A_117 = vector.broadcast %select_n3A_116 : i32 to vector<16xi32>
      %rem3A_118 = arith.remsi %mul3A_110, %rem3A_117 : vector<16xi32>
      %ne3A_119 = arith.constant 0 : i32
      %ne3A_120 = vector.broadcast %ne3A_119 : i32 to vector<16xi32>
      %ne3A_121 = arith.cmpi ne, %rem3A_118, %ne3A_120 : vector<16xi32>
      %lt3A_122 = arith.constant 0 : i32
      %lt3A_123 = vector.broadcast %lt3A_122 : i32 to vector<16xi32>
      %lt3A_124 = arith.cmpi slt, %rem3A_118, %lt3A_123 : vector<16xi32>
      %lt3A_125 = arith.constant 0 : i32
      %lt3A_126 = arith.cmpi slt, %select_n3A_116, %lt3A_125 : i32
      %ne3A_127 = vector.broadcast %lt3A_126 : i1 to vector<16xi1>
      %ne3A_128 = vector.broadcast %ne3A_127 : vector<16xi1> to vector<16xi1>
      %ne3A_129 = arith.xori %lt3A_124, %ne3A_128 : vector<16xi1>
      %and3A_130 = arith.andi %ne3A_129, %ne3A_121 : vector<16xi1>
      %add3A_131 = vector.broadcast %select_n3A_116 : i32 to vector<16xi32>
      %add3A_132 = arith.addi %rem3A_118, %add3A_131 : vector<16xi32>
      %select_n3A_133 = arith.select %and3A_130, %add3A_132, %rem3A_118 : vector<16xi1>, vector<16xi32>
      %sub3A_134 = arith.subi %and3A_89, %select_n3A_133 : vector<16xi32>
      %and3A_135 = arith.constant 31 : i32
      %and3A_136 = vector.broadcast %and3A_135 : i32 to vector<16xi32>
      %and3A_137 = arith.andi %sub3A_134, %and3A_136 : vector<16xi32>
      %mul3A_138 = arith.constant 25 : i32
      %mul3A_139 = vector.broadcast %mul3A_138 : i32 to vector<16xi32>
      %mul3A_140 = arith.muli %and3A_137, %mul3A_139 : vector<16xi32>
      %and3A_141 = arith.constant 31 : i32
      %and3A_142 = vector.broadcast %and3A_141 : i32 to vector<16xi32>
      %and3A_143 = arith.andi %mul3A_140, %and3A_142 : vector<16xi32>
      %mul3A_144 = arith.constant 15625 : i32
      %mul3A_145 = vector.broadcast %mul3A_144 : i32 to vector<16xi32>
      %mul3A_146 = arith.muli %mul3A_145, %and3A_143 : vector<16xi32>
      %add3A_147 = arith.addi %select_n3A_133, %mul3A_146 : vector<16xi32>
      %swap3A = arith.index_cast %add3A_82 : i32 to index
      %swap3A_148 = tpu.vector_load %arg7[%swap3A] {strides = array<i32>} : memref<2048xi32, #tpu.memory_space<vmem>>, vector<16xi32>,
      %swap3A_149 = vector.shape_cast %swap3A_148 : vector<16xi32> to vector<16xi32>
      %swap3A_150 = vector.shape_cast %add3A_147 : vector<16xi32> to vector<16xi32>
      tpu.vector_store %arg7[%swap3A], %swap3A_150 {strides = array<i32>} : memref<2048xi32, #tpu.memory_space<vmem>>, vector<16xi32>,
    }
    %while3A_21 = arith.constant 1 : i32
    scf.for %while3A_80 = %while3A_19 to %while3A_15 step %while3A_21  : i32 {
      %mul3A_81 = arith.muli %while3A_80, %while3A : i32
      %add3A_82 = arith.addi %while3A_12, %mul3A_81 : i32
      %get3A = arith.index_cast %add3A_82 : i32 to index
      %get3A_83 = tpu.vector_load %arg6[%get3A] {strides = array<i32>} : memref<2048xi32, #tpu.memory_space<vmem>>, vector<16xi32>,
      %get3A_84 = vector.shape_cast %get3A_83 : vector<16xi32> to vector<16xi32>
      %mul3A_85 = arith.constant 17 : i32
      %mul3A_86 = vector.broadcast %mul3A_85 : i32 to vector<16xi32>
      %mul3A_87 = arith.muli %get3A_84, %mul3A_86 : vector<16xi32>
      %and3A = arith.constant 31 : i32
      %and3A_88 = vector.broadcast %and3A : i32 to vector<16xi32>
      %and3A_89 = arith.andi %mul3A_87, %and3A_88 : vector<16xi32>
      %jit3A = arith.constant 15625 : i64
      %convert_element_type3A_90 = arith.trunci %jit3A : i64 to i32
      %eq3A = arith.constant 0 : i32
      %eq3A_91 = arith.cmpi eq, %convert_element_type3A_90, %eq3A : i32
      %jit3A_92 = arith.constant 1 : i32
      %select_n3A = arith.select %eq3A_91, %jit3A_92, %convert_element_type3A_90 : i32
      %rem3A = vector.broadcast %select_n3A : i32 to vector<16xi32>
      %rem3A_93 = arith.remsi %get3A_84, %rem3A : vector<16xi32>
      %ne3A = arith.constant 0 : i32
      %ne3A_94 = vector.broadcast %ne3A : i32 to vector<16xi32>
      %ne3A_95 = arith.cmpi ne, %rem3A_93, %ne3A_94 : vector<16xi32>
      %lt3A_96 = arith.constant 0 : i32
      %lt3A_97 = vector.broadcast %lt3A_96 : i32 to vector<16xi32>
      %lt3A_98 = arith.cmpi slt, %rem3A_93, %lt3A_97 : vector<16xi32>
      %lt3A_99 = arith.constant 0 : i32
      %lt3A_100 = arith.cmpi slt, %select_n3A, %lt3A_99 : i32
      %ne3A_101 = vector.broadcast %lt3A_100 : i1 to vector<16xi1>
      %ne3A_102 = vector.broadcast %ne3A_101 : vector<16xi1> to vector<16xi1>
      %ne3A_103 = arith.xori %lt3A_98, %ne3A_102 : vector<16xi1>
      %and3A_104 = arith.andi %ne3A_103, %ne3A_95 : vector<16xi1>
      %add3A_105 = vector.broadcast %select_n3A : i32 to vector<16xi32>
      %add3A_106 = arith.addi %rem3A_93, %add3A_105 : vector<16xi32>
      %select_n3A_107 = arith.select %and3A_104, %add3A_106, %rem3A_93 : vector<16xi1>, vector<16xi32>
      %mul3A_108 = arith.constant 13886 : i32
      %mul3A_109 = vector.broadcast %mul3A_108 : i32 to vector<16xi32>
      %mul3A_110 = arith.muli %select_n3A_107, %mul3A_109 : vector<16xi32>
      %jit3A_111 = arith.constant 15625 : i64
      %convert_element_type3A_112 = arith.trunci %jit3A_111 : i64 to i32
      %eq3A_113 = arith.constant 0 : i32
      %eq3A_114 = arith.cmpi eq, %convert_element_type3A_112, %eq3A_113 : i32
      %jit3A_115 = arith.constant 1 : i32
      %select_n3A_116 = arith.select %eq3A_114, %jit3A_115, %convert_element_type3A_112 : i32
      %rem3A_117 = vector.broadcast %select_n3A_116 : i32 to vector<16xi32>
      %rem3A_118 = arith.remsi %mul3A_110, %rem3A_117 : vector<16xi32>
      %ne3A_119 = arith.constant 0 : i32
      %ne3A_120 = vector.broadcast %ne3A_119 : i32 to vector<16xi32>
      %ne3A_121 = arith.cmpi ne, %rem3A_118, %ne3A_120 : vector<16xi32>
      %lt3A_122 = arith.constant 0 : i32
      %lt3A_123 = vector.broadcast %lt3A_122 : i32 to vector<16xi32>
      %lt3A_124 = arith.cmpi slt, %rem3A_118, %lt3A_123 : vector<16xi32>
      %lt3A_125 = arith.constant 0 : i32
      %lt3A_126 = arith.cmpi slt, %select_n3A_116, %lt3A_125 : i32
      %ne3A_127 = vector.broadcast %lt3A_126 : i1 to vector<16xi1>
      %ne3A_128 = vector.broadcast %ne3A_127 : vector<16xi1> to vector<16xi1>
      %ne3A_129 = arith.xori %lt3A_124, %ne3A_128 : vector<16xi1>
      %and3A_130 = arith.andi %ne3A_129, %ne3A_121 : vector<16xi1>
      %add3A_131 = vector.broadcast %select_n3A_116 : i32 to vector<16xi32>
      %add3A_132 = arith.addi %rem3A_118, %add3A_131 : vector<16xi32>
      %select_n3A_133 = arith.select %and3A_130, %add3A_132, %rem3A_118 : vector<16xi1>, vector<16xi32>
      %sub3A_134 = arith.subi %and3A_89, %select_n3A_133 : vector<16xi32>
      %and3A_135 = arith.constant 31 : i32
      %and3A_136 = vector.broadcast %and3A_135 : i32 to vector<16xi32>
      %and3A_137 = arith.andi %sub3A_134, %and3A_136 : vector<16xi32>
      %mul3A_138 = arith.constant 25 : i32
      %mul3A_139 = vector.broadcast %mul3A_138 : i32 to vector<16xi32>
      %mul3A_140 = arith.muli %and3A_137, %mul3A_139 : vector<16xi32>
      %and3A_141 = arith.constant 31 : i32
      %and3A_142 = vector.broadcast %and3A_141 : i32 to vector<16xi32>
      %and3A_143 = arith.andi %mul3A_140, %and3A_142 : vector<16xi32>
      %mul3A_144 = arith.constant 15625 : i32
      %mul3A_145 = vector.broadcast %mul3A_144 : i32 to vector<16xi32>
      %mul3A_146 = arith.muli %mul3A_145, %and3A_143 : vector<16xi32>
      %add3A_147 = arith.addi %select_n3A_133, %mul3A_146 : vector<16xi32>
      %swap3A = arith.index_cast %add3A_82 : i32 to index
      %swap3A_148 = tpu.vector_load %arg7[%swap3A] {strides = array<i32>} : memref<2048xi32, #tpu.memory_space<vmem>>, vector<16xi32>,
      %swap3A_149 = vector.shape_cast %swap3A_148 : vector<16xi32> to vector<16xi32>
      %swap3A_150 = vector.shape_cast %add3A_147 : vector<16xi32> to vector<16xi32>
      tpu.vector_store %arg7[%swap3A], %swap3A_150 {strides = array<i32>} : memref<2048xi32, #tpu.memory_space<vmem>>, vector<16xi32>,
    }
    %lt3A = arith.constant 16 : i32
    %lt3A_22 = arith.cmpi slt, %add3A, %lt3A : i32
    %convert_element_type3A = arith.extui %lt3A_22 : i1 to i32
    %cond3A = arith.constant 0 : i32
    %cond3A_23 = arith.constant 0 : i32
    %cond3A_24 = arith.cmpi ne, %convert_element_type3A, %cond3A_23 : i32
    scf.if %cond3A_24 {
      %dma_start3A = tpu.memref_slice %arg6[%cond3A] : memref<2048xi32, #tpu.memory_space<vmem>> -> memref<1024xi32, #tpu.memory_space<vmem>>
      %dma_start3A_80 = tpu.memref_slice %arg7[%cond3A] : memref<2048xi32, #tpu.memory_space<vmem>> -> memref<1024xi32, #tpu.memory_space<vmem>>
      %dma_start3A_81 = arith.constant 0 : i32
      %dma_start3A_82 = tpu.memref_slice %arg3[%dma_start3A_81] : memref<500000xi32, #tpu.memory_space<hbm>> -> memref<500000xi32, #tpu.memory_space<hbm>>
      tpu.enqueue_indirect_dma source(%dma_start3A_82 : memref<500000xi32, #tpu.memory_space<hbm>>) target(%dma_start3A : memref<1024xi32, #tpu.memory_space<vmem>>) offsets(%dma_start3A_80 : memref<1024xi32, #tpu.memory_space<vmem>>) semaphore(%arg8 : memref<!tpu.dma_semaphore, #tpu.memory_space<semaphore_mem>>)
    } else {
    }
    %ge3A = arith.constant 16 : i32
    %ge3A_25 = arith.cmpi sge, %add3A, %ge3A : i32
    %convert_element_type3A_26 = arith.extui %ge3A_25 : i1 to i32
    %cond3A_27 = arith.constant 0 : i32
    %cond3A_28 = arith.constant 0 : i32
    %cond3A_29 = arith.cmpi ne, %convert_element_type3A_26, %cond3A_28 : i32
    scf.if %cond3A_29 {
      %dma_start3A = tpu.memref_slice %arg6[%cond3A_27] : memref<2048xi32, #tpu.memory_space<vmem>> -> memref<1024xi32, #tpu.memory_space<vmem>>
      %dma_start3A_80 = tpu.memref_slice %arg7[%cond3A_27] : memref<2048xi32, #tpu.memory_space<vmem>> -> memref<1024xi32, #tpu.memory_space<vmem>>
      %dma_start3A_81 = arith.constant 0 : i32
      %dma_start3A_82 = tpu.memref_slice %arg4[%dma_start3A_81] : memref<500000xi32, #tpu.memory_space<hbm>> -> memref<500000xi32, #tpu.memory_space<hbm>>
      tpu.enqueue_indirect_dma source(%dma_start3A_82 : memref<500000xi32, #tpu.memory_space<hbm>>) target(%dma_start3A : memref<1024xi32, #tpu.memory_space<vmem>>) offsets(%dma_start3A_80 : memref<1024xi32, #tpu.memory_space<vmem>>) semaphore(%arg8 : memref<!tpu.dma_semaphore, #tpu.memory_space<semaphore_mem>>)
    } else {
    }
    %add3A_30 = arith.constant 1024 : i32
    %add3A_31 = arith.constant 1024 : i32
    %add3A_32 = arith.addi %add3A_30, %add3A_31 : i32
    %sub3A_33 = arith.constant 1024 : i32
    %sub3A_34 = arith.subi %add3A_32, %sub3A_33 : i32
    %sub3A_35 = arith.constant 16 : i32
    %sub3A_36 = arith.constant 1 : i32
    %sub3A_37 = arith.subi %sub3A_35, %sub3A_36 : i32
    %add3A_38 = arith.addi %sub3A_34, %sub3A_37 : i32
    %div3A_39 = arith.constant 16 : i32
    %div3A_40 = arith.divsi %add3A_38, %div3A_39 : i32
    %while3A_41 = arith.constant 16 : i32
    %while3A_42 = arith.constant 1024 : i32
    %while3A_43 = arith.constant 0 : i32
    %while3A_44 = arith.subi %div3A_40, %while3A_43 : i32
    %while3A_45 = arith.addi %while3A_43, %while3A_44 : i32
    %while3A_46 = arith.constant 1 : i32
    %while3A_47 = arith.divsi %while3A_44, %while3A_46 : i32
    %while3A_48 = arith.muli %while3A_47, %while3A_46 : i32
    %while3A_49 = arith.addi %while3A_43, %while3A_48 : i32
    %while3A_50 = arith.constant 1 : i32
    scf.for %while3A_80 = %while3A_43 to %while3A_49 step %while3A_50  : i32 {
      %mul3A_81 = arith.muli %while3A_80, %while3A_41 : i32
      %add3A_82 = arith.addi %while3A_42, %mul3A_81 : i32
      %get3A = arith.index_cast %add3A_82 : i32 to index
      %get3A_83 = tpu.vector_load %arg6[%get3A] {strides = array<i32>} : memref<2048xi32, #tpu.memory_space<vmem>>, vector<16xi32>,
      %get3A_84 = vector.shape_cast %get3A_83 : vector<16xi32> to vector<16xi32>
      %mul3A_85 = arith.constant 17 : i32
      %mul3A_86 = vector.broadcast %mul3A_85 : i32 to vector<16xi32>
      %mul3A_87 = arith.muli %get3A_84, %mul3A_86 : vector<16xi32>
      %and3A = arith.constant 31 : i32
      %and3A_88 = vector.broadcast %and3A : i32 to vector<16xi32>
      %and3A_89 = arith.andi %mul3A_87, %and3A_88 : vector<16xi32>
      %jit3A = arith.constant 15625 : i64
      %convert_element_type3A_90 = arith.trunci %jit3A : i64 to i32
      %eq3A = arith.constant 0 : i32
      %eq3A_91 = arith.cmpi eq, %convert_element_type3A_90, %eq3A : i32
      %jit3A_92 = arith.constant 1 : i32
      %select_n3A = arith.select %eq3A_91, %jit3A_92, %convert_element_type3A_90 : i32
      %rem3A = vector.broadcast %select_n3A : i32 to vector<16xi32>
      %rem3A_93 = arith.remsi %get3A_84, %rem3A : vector<16xi32>
      %ne3A = arith.constant 0 : i32
      %ne3A_94 = vector.broadcast %ne3A : i32 to vector<16xi32>
      %ne3A_95 = arith.cmpi ne, %rem3A_93, %ne3A_94 : vector<16xi32>
      %lt3A_96 = arith.constant 0 : i32
      %lt3A_97 = vector.broadcast %lt3A_96 : i32 to vector<16xi32>
      %lt3A_98 = arith.cmpi slt, %rem3A_93, %lt3A_97 : vector<16xi32>
      %lt3A_99 = arith.constant 0 : i32
      %lt3A_100 = arith.cmpi slt, %select_n3A, %lt3A_99 : i32
      %ne3A_101 = vector.broadcast %lt3A_100 : i1 to vector<16xi1>
      %ne3A_102 = vector.broadcast %ne3A_101 : vector<16xi1> to vector<16xi1>
      %ne3A_103 = arith.xori %lt3A_98, %ne3A_102 : vector<16xi1>
      %and3A_104 = arith.andi %ne3A_103, %ne3A_95 : vector<16xi1>
      %add3A_105 = vector.broadcast %select_n3A : i32 to vector<16xi32>
      %add3A_106 = arith.addi %rem3A_93, %add3A_105 : vector<16xi32>
      %select_n3A_107 = arith.select %and3A_104, %add3A_106, %rem3A_93 : vector<16xi1>, vector<16xi32>
      %mul3A_108 = arith.constant 13886 : i32
      %mul3A_109 = vector.broadcast %mul3A_108 : i32 to vector<16xi32>
      %mul3A_110 = arith.muli %select_n3A_107, %mul3A_109 : vector<16xi32>
      %jit3A_111 = arith.constant 15625 : i64
      %convert_element_type3A_112 = arith.trunci %jit3A_111 : i64 to i32
      %eq3A_113 = arith.constant 0 : i32
      %eq3A_114 = arith.cmpi eq, %convert_element_type3A_112, %eq3A_113 : i32
      %jit3A_115 = arith.constant 1 : i32
      %select_n3A_116 = arith.select %eq3A_114, %jit3A_115, %convert_element_type3A_112 : i32
      %rem3A_117 = vector.broadcast %select_n3A_116 : i32 to vector<16xi32>
      %rem3A_118 = arith.remsi %mul3A_110, %rem3A_117 : vector<16xi32>
      %ne3A_119 = arith.constant 0 : i32
      %ne3A_120 = vector.broadcast %ne3A_119 : i32 to vector<16xi32>
      %ne3A_121 = arith.cmpi ne, %rem3A_118, %ne3A_120 : vector<16xi32>
      %lt3A_122 = arith.constant 0 : i32
      %lt3A_123 = vector.broadcast %lt3A_122 : i32 to vector<16xi32>
      %lt3A_124 = arith.cmpi slt, %rem3A_118, %lt3A_123 : vector<16xi32>
      %lt3A_125 = arith.constant 0 : i32
      %lt3A_126 = arith.cmpi slt, %select_n3A_116, %lt3A_125 : i32
      %ne3A_127 = vector.broadcast %lt3A_126 : i1 to vector<16xi1>
      %ne3A_128 = vector.broadcast %ne3A_127 : vector<16xi1> to vector<16xi1>
      %ne3A_129 = arith.xori %lt3A_124, %ne3A_128 : vector<16xi1>
      %and3A_130 = arith.andi %ne3A_129, %ne3A_121 : vector<16xi1>
      %add3A_131 = vector.broadcast %select_n3A_116 : i32 to vector<16xi32>
      %add3A_132 = arith.addi %rem3A_118, %add3A_131 : vector<16xi32>
      %select_n3A_133 = arith.select %and3A_130, %add3A_132, %rem3A_118 : vector<16xi1>, vector<16xi32>
      %sub3A_134 = arith.subi %and3A_89, %select_n3A_133 : vector<16xi32>
      %and3A_135 = arith.constant 31 : i32
      %and3A_136 = vector.broadcast %and3A_135 : i32 to vector<16xi32>
      %and3A_137 = arith.andi %sub3A_134, %and3A_136 : vector<16xi32>
      %mul3A_138 = arith.constant 25 : i32
      %mul3A_139 = vector.broadcast %mul3A_138 : i32 to vector<16xi32>
      %mul3A_140 = arith.muli %and3A_137, %mul3A_139 : vector<16xi32>
      %and3A_141 = arith.constant 31 : i32
      %and3A_142 = vector.broadcast %and3A_141 : i32 to vector<16xi32>
      %and3A_143 = arith.andi %mul3A_140, %and3A_142 : vector<16xi32>
      %mul3A_144 = arith.constant 15625 : i32
      %mul3A_145 = vector.broadcast %mul3A_144 : i32 to vector<16xi32>
      %mul3A_146 = arith.muli %mul3A_145, %and3A_143 : vector<16xi32>
      %add3A_147 = arith.addi %select_n3A_133, %mul3A_146 : vector<16xi32>
      %swap3A = arith.index_cast %add3A_82 : i32 to index
      %swap3A_148 = tpu.vector_load %arg7[%swap3A] {strides = array<i32>} : memref<2048xi32, #tpu.memory_space<vmem>>, vector<16xi32>,
      %swap3A_149 = vector.shape_cast %swap3A_148 : vector<16xi32> to vector<16xi32>
      %swap3A_150 = vector.shape_cast %add3A_147 : vector<16xi32> to vector<16xi32>
      tpu.vector_store %arg7[%swap3A], %swap3A_150 {strides = array<i32>} : memref<2048xi32, #tpu.memory_space<vmem>>, vector<16xi32>,
    }
    %while3A_51 = arith.constant 1 : i32
    scf.for %while3A_80 = %while3A_49 to %while3A_45 step %while3A_51  : i32 {
      %mul3A_81 = arith.muli %while3A_80, %while3A_41 : i32
      %add3A_82 = arith.addi %while3A_42, %mul3A_81 : i32
      %get3A = arith.index_cast %add3A_82 : i32 to index
      %get3A_83 = tpu.vector_load %arg6[%get3A] {strides = array<i32>} : memref<2048xi32, #tpu.memory_space<vmem>>, vector<16xi32>,
      %get3A_84 = vector.shape_cast %get3A_83 : vector<16xi32> to vector<16xi32>
      %mul3A_85 = arith.constant 17 : i32
      %mul3A_86 = vector.broadcast %mul3A_85 : i32 to vector<16xi32>
      %mul3A_87 = arith.muli %get3A_84, %mul3A_86 : vector<16xi32>
      %and3A = arith.constant 31 : i32
      %and3A_88 = vector.broadcast %and3A : i32 to vector<16xi32>
      %and3A_89 = arith.andi %mul3A_87, %and3A_88 : vector<16xi32>
      %jit3A = arith.constant 15625 : i64
      %convert_element_type3A_90 = arith.trunci %jit3A : i64 to i32
      %eq3A = arith.constant 0 : i32
      %eq3A_91 = arith.cmpi eq, %convert_element_type3A_90, %eq3A : i32
      %jit3A_92 = arith.constant 1 : i32
      %select_n3A = arith.select %eq3A_91, %jit3A_92, %convert_element_type3A_90 : i32
      %rem3A = vector.broadcast %select_n3A : i32 to vector<16xi32>
      %rem3A_93 = arith.remsi %get3A_84, %rem3A : vector<16xi32>
      %ne3A = arith.constant 0 : i32
      %ne3A_94 = vector.broadcast %ne3A : i32 to vector<16xi32>
      %ne3A_95 = arith.cmpi ne, %rem3A_93, %ne3A_94 : vector<16xi32>
      %lt3A_96 = arith.constant 0 : i32
      %lt3A_97 = vector.broadcast %lt3A_96 : i32 to vector<16xi32>
      %lt3A_98 = arith.cmpi slt, %rem3A_93, %lt3A_97 : vector<16xi32>
      %lt3A_99 = arith.constant 0 : i32
      %lt3A_100 = arith.cmpi slt, %select_n3A, %lt3A_99 : i32
      %ne3A_101 = vector.broadcast %lt3A_100 : i1 to vector<16xi1>
      %ne3A_102 = vector.broadcast %ne3A_101 : vector<16xi1> to vector<16xi1>
      %ne3A_103 = arith.xori %lt3A_98, %ne3A_102 : vector<16xi1>
      %and3A_104 = arith.andi %ne3A_103, %ne3A_95 : vector<16xi1>
      %add3A_105 = vector.broadcast %select_n3A : i32 to vector<16xi32>
      %add3A_106 = arith.addi %rem3A_93, %add3A_105 : vector<16xi32>
      %select_n3A_107 = arith.select %and3A_104, %add3A_106, %rem3A_93 : vector<16xi1>, vector<16xi32>
      %mul3A_108 = arith.constant 13886 : i32
      %mul3A_109 = vector.broadcast %mul3A_108 : i32 to vector<16xi32>
      %mul3A_110 = arith.muli %select_n3A_107, %mul3A_109 : vector<16xi32>
      %jit3A_111 = arith.constant 15625 : i64
      %convert_element_type3A_112 = arith.trunci %jit3A_111 : i64 to i32
      %eq3A_113 = arith.constant 0 : i32
      %eq3A_114 = arith.cmpi eq, %convert_element_type3A_112, %eq3A_113 : i32
      %jit3A_115 = arith.constant 1 : i32
      %select_n3A_116 = arith.select %eq3A_114, %jit3A_115, %convert_element_type3A_112 : i32
      %rem3A_117 = vector.broadcast %select_n3A_116 : i32 to vector<16xi32>
      %rem3A_118 = arith.remsi %mul3A_110, %rem3A_117 : vector<16xi32>
      %ne3A_119 = arith.constant 0 : i32
      %ne3A_120 = vector.broadcast %ne3A_119 : i32 to vector<16xi32>
      %ne3A_121 = arith.cmpi ne, %rem3A_118, %ne3A_120 : vector<16xi32>
      %lt3A_122 = arith.constant 0 : i32
      %lt3A_123 = vector.broadcast %lt3A_122 : i32 to vector<16xi32>
      %lt3A_124 = arith.cmpi slt, %rem3A_118, %lt3A_123 : vector<16xi32>
      %lt3A_125 = arith.constant 0 : i32
      %lt3A_126 = arith.cmpi slt, %select_n3A_116, %lt3A_125 : i32
      %ne3A_127 = vector.broadcast %lt3A_126 : i1 to vector<16xi1>
      %ne3A_128 = vector.broadcast %ne3A_127 : vector<16xi1> to vector<16xi1>
      %ne3A_129 = arith.xori %lt3A_124, %ne3A_128 : vector<16xi1>
      %and3A_130 = arith.andi %ne3A_129, %ne3A_121 : vector<16xi1>
      %add3A_131 = vector.broadcast %select_n3A_116 : i32 to vector<16xi32>
      %add3A_132 = arith.addi %rem3A_118, %add3A_131 : vector<16xi32>
      %select_n3A_133 = arith.select %and3A_130, %add3A_132, %rem3A_118 : vector<16xi1>, vector<16xi32>
      %sub3A_134 = arith.subi %and3A_89, %select_n3A_133 : vector<16xi32>
      %and3A_135 = arith.constant 31 : i32
      %and3A_136 = vector.broadcast %and3A_135 : i32 to vector<16xi32>
      %and3A_137 = arith.andi %sub3A_134, %and3A_136 : vector<16xi32>
      %mul3A_138 = arith.constant 25 : i32
      %mul3A_139 = vector.broadcast %mul3A_138 : i32 to vector<16xi32>
      %mul3A_140 = arith.muli %and3A_137, %mul3A_139 : vector<16xi32>
      %and3A_141 = arith.constant 31 : i32
      %and3A_142 = vector.broadcast %and3A_141 : i32 to vector<16xi32>
      %and3A_143 = arith.andi %mul3A_140, %and3A_142 : vector<16xi32>
      %mul3A_144 = arith.constant 15625 : i32
      %mul3A_145 = vector.broadcast %mul3A_144 : i32 to vector<16xi32>
      %mul3A_146 = arith.muli %mul3A_145, %and3A_143 : vector<16xi32>
      %add3A_147 = arith.addi %select_n3A_133, %mul3A_146 : vector<16xi32>
      %swap3A = arith.index_cast %add3A_82 : i32 to index
      %swap3A_148 = tpu.vector_load %arg7[%swap3A] {strides = array<i32>} : memref<2048xi32, #tpu.memory_space<vmem>>, vector<16xi32>,
      %swap3A_149 = vector.shape_cast %swap3A_148 : vector<16xi32> to vector<16xi32>
      %swap3A_150 = vector.shape_cast %add3A_147 : vector<16xi32> to vector<16xi32>
      tpu.vector_store %arg7[%swap3A], %swap3A_150 {strides = array<i32>} : memref<2048xi32, #tpu.memory_space<vmem>>, vector<16xi32>,
    }
    %lt3A_52 = arith.constant 16 : i32
    %lt3A_53 = arith.cmpi slt, %add3A, %lt3A_52 : i32
    %convert_element_type3A_54 = arith.extui %lt3A_53 : i1 to i32
    %cond3A_55 = arith.constant 1024 : i32
    %cond3A_56 = arith.constant 0 : i32
    %cond3A_57 = arith.cmpi ne, %convert_element_type3A_54, %cond3A_56 : i32
    scf.if %cond3A_57 {
      %dma_start3A = tpu.memref_slice %arg6[%cond3A_55] : memref<2048xi32, #tpu.memory_space<vmem>> -> memref<1024xi32, #tpu.memory_space<vmem>>
      %dma_start3A_80 = tpu.memref_slice %arg7[%cond3A_55] : memref<2048xi32, #tpu.memory_space<vmem>> -> memref<1024xi32, #tpu.memory_space<vmem>>
      %dma_start3A_81 = arith.constant 0 : i32
      %dma_start3A_82 = tpu.memref_slice %arg3[%dma_start3A_81] : memref<500000xi32, #tpu.memory_space<hbm>> -> memref<500000xi32, #tpu.memory_space<hbm>>
      tpu.enqueue_indirect_dma source(%dma_start3A_82 : memref<500000xi32, #tpu.memory_space<hbm>>) target(%dma_start3A : memref<1024xi32, #tpu.memory_space<vmem>>) offsets(%dma_start3A_80 : memref<1024xi32, #tpu.memory_space<vmem>>) semaphore(%arg8 : memref<!tpu.dma_semaphore, #tpu.memory_space<semaphore_mem>>)
    } else {
    }
    %ge3A_58 = arith.constant 16 : i32
    %ge3A_59 = arith.cmpi sge, %add3A, %ge3A_58 : i32
    %convert_element_type3A_60 = arith.extui %ge3A_59 : i1 to i32
    %cond3A_61 = arith.constant 1024 : i32
    %cond3A_62 = arith.constant 0 : i32
    %cond3A_63 = arith.cmpi ne, %convert_element_type3A_60, %cond3A_62 : i32
    scf.if %cond3A_63 {
      %dma_start3A = tpu.memref_slice %arg6[%cond3A_61] : memref<2048xi32, #tpu.memory_space<vmem>> -> memref<1024xi32, #tpu.memory_space<vmem>>
      %dma_start3A_80 = tpu.memref_slice %arg7[%cond3A_61] : memref<2048xi32, #tpu.memory_space<vmem>> -> memref<1024xi32, #tpu.memory_space<vmem>>
      %dma_start3A_81 = arith.constant 0 : i32
      %dma_start3A_82 = tpu.memref_slice %arg4[%dma_start3A_81] : memref<500000xi32, #tpu.memory_space<hbm>> -> memref<500000xi32, #tpu.memory_space<hbm>>
      tpu.enqueue_indirect_dma source(%dma_start3A_82 : memref<500000xi32, #tpu.memory_space<hbm>>) target(%dma_start3A : memref<1024xi32, #tpu.memory_space<vmem>>) offsets(%dma_start3A_80 : memref<1024xi32, #tpu.memory_space<vmem>>) semaphore(%arg8 : memref<!tpu.dma_semaphore, #tpu.memory_space<semaphore_mem>>)
    } else {
    }
    %dma_wait3A = arith.constant 0 : i32
    %dma_wait3A_64 = arith.constant 0 : i32
    %dma_wait3A_65 = tpu.memref_slice %arg6[%dma_wait3A_64] : memref<2048xi32, #tpu.memory_space<vmem>> -> memref<1024xi32, #tpu.memory_space<vmem>>
    %dma_wait3A_66 = tpu.memref_slice %arg7[%dma_wait3A] : memref<2048xi32, #tpu.memory_space<vmem>> -> memref<1024xi32, #tpu.memory_space<vmem>>
    %dma_wait3A_67 = arith.constant 0 : i32
    %dma_wait3A_68 = tpu.memref_slice %arg3[%dma_wait3A_67] : memref<500000xi32, #tpu.memory_space<hbm>> -> memref<500000xi32, #tpu.memory_space<hbm>>
    tpu.wait_indirect_dma semaphore(%arg8 : memref<!tpu.dma_semaphore, #tpu.memory_space<semaphore_mem>>) src(%dma_wait3A_68 : memref<500000xi32, #tpu.memory_space<hbm>>) dst(%dma_wait3A_65 : memref<1024xi32, #tpu.memory_space<vmem>>)
    %add3A_69 = arith.constant 0 : i32
    %add3A_70 = arith.addi %mul3A_2, %add3A_69 : i32
    %run_scoped3A = arith.constant 0 : i32
    "tpu.region"() ({
      %run_scoped3A_80 = tpu.sem_alloc : memref<!tpu.dma_semaphore, #tpu.memory_space<semaphore_mem>>
      %dma_start3A = tpu.memref_slice %arg6[%run_scoped3A] : memref<2048xi32, #tpu.memory_space<vmem>> -> memref<1024xi32, #tpu.memory_space<vmem>>
      %dma_start3A_81 = tpu.memref_slice %arg5[%add3A_70] : memref<65536xi32, #tpu.memory_space<hbm>> -> memref<1024xi32, #tpu.memory_space<hbm>>
      %dma_start3A_82 = tpu.memref_slice %arg5[%add3A_70] : memref<65536xi32, #tpu.memory_space<hbm>> -> memref<1024xi32, #tpu.memory_space<hbm>>
      %dma_start3A_83 = tpu.memref_slice %arg6[%run_scoped3A] : memref<2048xi32, #tpu.memory_space<vmem>> -> memref<1024xi32, #tpu.memory_space<vmem>>
      tpu.enqueue_dma source(%dma_start3A_83 : memref<1024xi32, #tpu.memory_space<vmem>>) target(%dma_start3A_82 : memref<1024xi32, #tpu.memory_space<hbm>>) target_semaphore(%run_scoped3A_80 : memref<!tpu.dma_semaphore, #tpu.memory_space<semaphore_mem>>)
      %dma_wait3A_84 = tpu.memref_slice %arg6[%run_scoped3A] : memref<2048xi32, #tpu.memory_space<vmem>> -> memref<1024xi32, #tpu.memory_space<vmem>>
      %dma_wait3A_85 = tpu.memref_slice %arg5[%add3A_70] : memref<65536xi32, #tpu.memory_space<hbm>> -> memref<1024xi32, #tpu.memory_space<hbm>>
      %dma_wait3A_86 = tpu.memref_slice %arg5[%add3A_70] : memref<65536xi32, #tpu.memory_space<hbm>> -> memref<1024xi32, #tpu.memory_space<hbm>>
      %dma_wait3A_87 = tpu.memref_slice %arg6[%run_scoped3A] : memref<2048xi32, #tpu.memory_space<vmem>> -> memref<1024xi32, #tpu.memory_space<vmem>>
      tpu.wait_dma2 semaphore(%run_scoped3A_80 : memref<!tpu.dma_semaphore, #tpu.memory_space<semaphore_mem>>) src(%dma_wait3A_87 : memref<1024xi32, #tpu.memory_space<vmem>>) dst(%dma_wait3A_86 : memref<1024xi32, #tpu.memory_space<hbm>>)
      tpu.yield
    }) : () -> ()
    %dma_wait3A_71 = arith.constant 1024 : i32
    %dma_wait3A_72 = arith.constant 1024 : i32
    %dma_wait3A_73 = tpu.memref_slice %arg6[%dma_wait3A_72] : memref<2048xi32, #tpu.memory_space<vmem>> -> memref<1024xi32, #tpu.memory_space<vmem>>
    %dma_wait3A_74 = tpu.memref_slice %arg7[%dma_wait3A_71] : memref<2048xi32, #tpu.memory_space<vmem>> -> memref<1024xi32, #tpu.memory_space<vmem>>
    %dma_wait3A_75 = arith.constant 0 : i32
    %dma_wait3A_76 = tpu.memref_slice %arg3[%dma_wait3A_75] : memref<500000xi32, #tpu.memory_space<hbm>> -> memref<500000xi32, #tpu.memory_space<hbm>>
    tpu.wait_indirect_dma semaphore(%arg8 : memref<!tpu.dma_semaphore, #tpu.memory_space<semaphore_mem>>) src(%dma_wait3A_76 : memref<500000xi32, #tpu.memory_space<hbm>>) dst(%dma_wait3A_73 : memref<1024xi32, #tpu.memory_space<vmem>>)
    %add3A_77 = arith.constant 1024 : i32
    %add3A_78 = arith.addi %mul3A_2, %add3A_77 : i32
    %run_scoped3A_79 = arith.constant 1024 : i32
    "tpu.region"() ({
      %run_scoped3A_80 = tpu.sem_alloc : memref<!tpu.dma_semaphore, #tpu.memory_space<semaphore_mem>>
      %dma_start3A = tpu.memref_slice %arg6[%run_scoped3A_79] : memref<2048xi32, #tpu.memory_space<vmem>> -> memref<1024xi32, #tpu.memory_space<vmem>>
      %dma_start3A_81 = tpu.memref_slice %arg5[%add3A_78] : memref<65536xi32, #tpu.memory_space<hbm>> -> memref<1024xi32, #tpu.memory_space<hbm>>
      %dma_start3A_82 = tpu.memref_slice %arg5[%add3A_78] : memref<65536xi32, #tpu.memory_space<hbm>> -> memref<1024xi32, #tpu.memory_space<hbm>>
      %dma_start3A_83 = tpu.memref_slice %arg6[%run_scoped3A_79] : memref<2048xi32, #tpu.memory_space<vmem>> -> memref<1024xi32, #tpu.memory_space<vmem>>
      tpu.enqueue_dma source(%dma_start3A_83 : memref<1024xi32, #tpu.memory_space<vmem>>) target(%dma_start3A_82 : memref<1024xi32, #tpu.memory_space<hbm>>) target_semaphore(%run_scoped3A_80 : memref<!tpu.dma_semaphore, #tpu.memory_space<semaphore_mem>>)
      %dma_wait3A_84 = tpu.memref_slice %arg6[%run_scoped3A_79] : memref<2048xi32, #tpu.memory_space<vmem>> -> memref<1024xi32, #tpu.memory_space<vmem>>
      %dma_wait3A_85 = tpu.memref_slice %arg5[%add3A_78] : memref<65536xi32, #tpu.memory_space<hbm>> -> memref<1024xi32, #tpu.memory_space<hbm>>
      %dma_wait3A_86 = tpu.memref_slice %arg5[%add3A_78] : memref<65536xi32, #tpu.memory_space<hbm>> -> memref<1024xi32, #tpu.memory_space<hbm>>
      %dma_wait3A_87 = tpu.memref_slice %arg6[%run_scoped3A_79] : memref<2048xi32, #tpu.memory_space<vmem>> -> memref<1024xi32, #tpu.memory_space<vmem>>
      tpu.wait_dma2 semaphore(%run_scoped3A_80 : memref<!tpu.dma_semaphore, #tpu.memory_space<semaphore_mem>>) src(%dma_wait3A_87 : memref<1024xi32, #tpu.memory_space<vmem>>) dst(%dma_wait3A_86 : memref<1024xi32, #tpu.memory_space<hbm>>)
      tpu.yield
    }) : () -> ()
    return
  }
}

</mosaic_0001>

<sc_bundles>
// kernel: mcc_remap.3.cloned.1.call-start
scs
__scs_entry_jumppad:
0x0: {  	(pc) =	sbr.rel $0x88, $3  }
0x1: {  	(tag) =	ssettag $0x0;
	lr =	simm.s32 $0x1  }
0x2: {  	[smem:$0x3F9C] =	sst lr;
	_ =	strace $0xD0000000  }
0x3: {  	_ = 	snop  }
0x4: {  	_ = 	snop  }
0x5: {  	_ = 	snop  }
0x6: {  	_ = 	snop  }
0x7: {  	_ = 	snop  }
__scs_overlays_trampoline_lowered:
0x8: {  	[smem:$0x3FAB] =	sst s0  }
0x9: {  	[smem:$0x3FAC] =	sst s1  }
0xa: {  	[smem:$0x3FAD] =	sst s2  }
0xb: {  	[smem:$0x3FAE] =	sst s3  }
0xc: {  	[smem:$0x3FAF] =	sst s4  }
0xd: {  	[smem:$0x3FB0] =	sst s5  }
0xe: {  	[smem:$0x3FB1] =	sst s6  }
0xf: {  	[smem:$0x3FB2] =	sst s7  }
0x10: {  	[smem:$0x3FB3] =	sst s8  }
0x11: {  	[smem:$0x3FB4] =	sst s9;
	s0 =	simm.s32 @!p0 $0x0  }
0x12: {  	s1 =	sld [smem:$0x3F9A];
	s0 =	simm.s32 @p0 $0x1  }
0x13: {  	[smem:$0x3FB5] =	sst s0;
	s0 =	simm.s32 @!p1 $0x0  }
0x14: {  	s2 =	sld [smem:$0x3F99];
	s0 =	simm.s32 @p1 $0x1  }
0x15: {  	[smem:$0x3FB6] =	sst s0;
	s0 =	simm.s32 @!p2 $0x0  }
0x16: {  	s3 =	sld [smem:$0x3FDB];
	s0 =	simm.s32 @p2 $0x1  }
0x17: {  	s4 =	simm.s32 $0x1BF5;
	[smem:$0x3FB8] =	sst s0  }
0x18: {  	s0 =	sld [smem:$0x3F9B];
	_ =	swait.ge [sflag:s4], $0x0  }
0x19: {  	s7 =	sld [smem:$0x3F9C]  }
0x1a: {  	s8 =	sadd.s32 $0xFFFFE003, lr  }
0x1b: {  	s9 =	sadd.s32 $0xFFFFFEF7, lr;
	s5 =	simm.s32 $0xFFFFFFFF;
	p2 =	slt.u32 s8, $0xFFFFF086  }
0x1c: {  	p1 =	slt.u32 s9, $0xF7A;
	s5 =	simm.s32 @!p2 $0x0  }
0x1d: {  	s5 =	simm.s32 @p1 $0x1;
	p0 =	seq.s32 s7, s2  }
0x1e: {  	s7 =	smul.u32 @!p0 $0xF7A, s2;
	p2 =	seq.s32 @!p0 s5, $0x0  }
0x1f: {  	s9 =	smul.u32 $0xF7A, s1;
	s8 =	simm.s32 @!p0 $0x1BF5;
	p2 =	por !p2, p0  }
0x20: {  	[sflag:s8] =	ssyncset.s32 @!p0 $0xFFFFF086;
	s6 =	sadd.s32 @!p0 s3, s7;
	s7 =	simm.s32 @!p0 $0x108  }
0x21: {  	s3 =	sadd.s32 s3, s9;
	s6 =	sadd.s32 @!p0 $0x88, s6;
	s7 =	simm.s32 @p2 $0x1082  }
0x22: {  	[simem:s7], [sflag:s8] =	dma.local @!p0 [hbm:s6], $0xF7A  }
0x23: {  	s9 =	sor.u32 $0xD0000000, s2;
	s6 =	simm.s32 $0x108;
	_ =	swait.ge @!p0 [sflag:s8], $0x0  }
0x24: {  	s3 =	sadd.s32 $0x88, s3;
	s6 =	simm.s32 @!p1 $0x1082;
	[sflag:s4] =	ssyncset.s32 $0xFFFFF086  }
0x25: {  	[simem:s6], [sflag:s4] =	dma.local [hbm:s3], $0xF7A  }
0x26: {  	[smem:$0x3F9C] =	sst s1;
	(tag) =	ssettag s2;
	_ =	strace s9  }
0x27: {  	s1 =	sld [smem:$0x3FAC]  }
0x28: {  	s2 =	sld [smem:$0x3FAD]  }
0x29: {  	s4 =	sld [smem:$0x3FAF]  }
0x2a: {  	p0 =	seq.s32 s5, $0x0;
	s5 =	sld [smem:$0x3FB0]  }
0x2b: {  	s6 =	sld [smem:$0x3FB1]  }
0x2c: {  	s7 =	sld [smem:$0x3FB2]  }
0x2d: {  	s3 =	simm.s32 $0x108;
	s8 =	sld [smem:$0x3FB3]  }
0x2e: {  	s3 =	simm.s32 @!p0 $0x1082;
	s9 =	sld [smem:$0x3FB4]  }
0x2f: {  	lr =	sadd.s32 s0, s3;
	s0 =	sld [smem:$0x3FAB]  }
0x30: {  	s3 =	sld [smem:$0x3FAE]  }
0x31: {  	[smem:$0x3FB7] =	sst s10  }
0x32: {  	s10 =	sld [smem:$0x3FB5];
	_ =	sdelay $0x3  }
0x33: {  	p0 =	seq.s32 s10, $0x1;
	s10 =	sld [smem:$0x3FB7];
	_ =	sdelay $0x3  }
0x34: {  	[smem:$0x3FB7] =	sst s10  }
0x35: {  	s10 =	sld [smem:$0x3FB6];
	_ =	sdelay $0x3  }
0x36: {  	p1 =	seq.s32 s10, $0x1;
	s10 =	sld [smem:$0x3FB7];
	_ =	sdelay $0x3  }
0x37: {  	[smem:$0x3FB7] =	sst s10  }
0x38: {  	s10 =	sld [smem:$0x3FB8]  }
0x39: {  	_ = 	snop;
	(pc) =	sbr.ind lr, $3  }
0x3a: {  	_ = 	snop  }
0x3b: {  	_ = 	snop  }
0x3c: {  	p2 =	seq.s32 s10, $0x1;
	s10 =	sld [smem:$0x3FB7]  }
0x3d: {  	_ =	shalt  }
0x3e: {  	_ =	shalt  }
0x3f: {  	_ =	shalt  }
0x40: {  	_ =	shalt  }
0x41: {  	_ =	shalt  }
0x42: {  	_ =	shalt  }
0x43: {  	_ =	shalt  }
0x44: {  	_ =	shalt  }
0x45: {  	_ =	shalt  }
0x46: {  	_ =	shalt  }
0x47: {  	_ =	shalt  }
0x48: {  	_ =	shalt  }
0x49: {  	_ =	shalt  }
0x4a: {  	_ =	shalt  }
0x4b: {  	_ =	shalt  }
0x4c: {  	_ =	shalt  }
0x4d: {  	_ =	shalt  }
0x4e: {  	_ =	shalt  }
0x4f: {  	_ =	shalt  }
0x50: {  	_ =	shalt  }
0x51: {  	_ =	shalt  }
0x52: {  	_ =	shalt  }
0x53: {  	_ =	shalt  }
0x54: {  	_ =	shalt  }
0x55: {  	_ =	shalt  }
0x56: {  	_ =	shalt  }
0x57: {  	_ =	shalt  }
0x58: {  	_ =	shalt  }
0x59: {  	_ =	shalt  }
0x5a: {  	_ =	shalt  }
0x5b: {  	_ =	shalt  }
0x5c: {  	_ =	shalt  }
0x5d: {  	_ =	shalt  }
0x5e: {  	_ =	shalt  }
0x5f: {  	_ =	shalt  }
0x60: {  	_ =	shalt  }
0x61: {  	_ =	shalt  }
0x62: {  	_ =	shalt  }
0x63: {  	_ =	shalt  }
0x64: {  	_ =	shalt  }
0x65: {  	_ =	shalt  }
0x66: {  	_ =	shalt  }
0x67: {  	_ =	shalt  }
0x68: {  	_ =	shalt  }
0x69: {  	_ =	shalt  }
0x6a: {  	_ =	shalt  }
0x6b: {  	_ =	shalt  }
0x6c: {  	_ =	shalt  }
0x6d: {  	_ =	shalt  }
0x6e: {  	_ =	shalt  }
0x6f: {  	_ =	shalt  }
0x70: {  	_ =	shalt  }
0x71: {  	_ =	shalt  }
0x72: {  	_ =	shalt  }
0x73: {  	_ =	shalt  }
0x74: {  	_ =	shalt  }
0x75: {  	_ =	shalt  }
0x76: {  	_ =	shalt  }
0x77: {  	_ =	shalt  }
0x78: {  	_ =	shalt  }
0x79: {  	_ =	shalt  }
0x7a: {  	_ =	shalt  }
0x7b: {  	_ =	shalt  }
0x7c: {  	_ =	shalt  }
0x7d: {  	_ =	shalt  }
0x7e: {  	_ =	shalt  }
0x7f: {  	_ =	shalt  }
0x80: {  	_ =	shalt  }
0x81: {  	_ =	shalt  }
0x82: {  	_ =	shalt  }
0x83: {  	_ =	shalt  }
0x84: {  	_ =	shalt  }
0x85: {  	_ =	shalt  }
0x86: {  	_ =	shalt  }
0x87: {  	_ =	shalt  }
.Lfunc_end0:
.L_simem_size_0:
called_computation_lowered:
.L_overlay_start_0:
0x88: {  	s2 =	sld [smem:$0x3FD9]  }
0x89: {  	s3 =	sld [smem:$0x3FFE];
	_ =	sdelay $0x1  }
0x8a: {  	s1 =	srdreg.scid  }
0x8b: {  	s0 =	sand.u32 $0x1, s1  }
0x8c: {  	s14 =	sshll.u32 s0, $0xA;
	s2 =	sadd.s32 s3, s2  }
0x8d: {  	s2 =	sadd.s32 s2, s14  }
0x8e: {  	[smem:$0x3FC3] =	sst s2  }
0x8f: {  	_ = 	snop  }
0x90: {  	s2 =	sld [smem:$0x3FD0];
	_ =	sdelay $0x2  }
0x91: {  	s15 =	simm.s32 $0xA;
	s4 =	simm.s32 $0x10  }
0x92: {  	[smem:s4], [sflag:s15] =	dma.local [hbm:s2], $0x1  }
0x93: {  	_ =	swait.eq [sflag:s15], $0x1  }
0x94: {  	[sflag:s15] =	ssyncset.done $0x0  }
0x95: {  	s16 =	sld [smem:$0x11];
	[sflag:s15] =	ssyncadd.s32 $0xFFFFFFFF  }
0x96: {  	s17 =	sld [smem:$0x12];
	(tm) =	ssettm $0x1  }
0x97: {  	s18 =	sld [smem:$0x3FFB];
	_ =	sdelay $0x3  }
0x98: {  	_ =	strace s18  }
0x99: {  	s4 =	sld [smem:$0x3FFC];
	_ =	sdelay $0x3  }
0x9a: {  	_ =	strace s4  }
0x9b: {  	s4 =	sld [smem:$0x3FFD];
	_ =	sdelay $0x3  }
0x9c: {  	_ =	strace s4  }
0x9d: {  	_ =	strace $0x8FFFFFFF  }
0x9e: {  	s19 =	sld [smem:$0x3FDB];
	_ =	sdelay $0x1  }
0x9f: {  	s5 =	simm.s32 $_scs_section_size  }
0xa0: {  	s6 =	simm.s32 $_size__tile_overlayer_lowered;
	s7 =	simm.s32 $_tile_overlayer_lowered  }
0xa1: {  	s22 =	simm.s32 $0x1BFF;
	s21 =	sshll.u32 s7, $0x1;
	s4 =	sadd.s32 s5, s19  }
0xa2: {  	s8 =	simm.s32 $0x0;
	s20 =	sshll.u32 s6, $0x1;
	s6 =	sadd.s32 s21, s4  }
0xa3: {  	[timem:s8], [sflag:s22] =	dma.local [hbm:s6], s20  }
0xa4: {  	_ =	swait.ge [sflag:s22], s20  }
0xa5: {  	s5 =	ssub.s32 $0x0, s20;
	[sflag:s22] =	ssyncset.done $0x0  }
0xa6: {  	[sflag:s22] =	ssyncadd.s32 s5;
	_ =	sdelay $0x1  }
0xa7: {  	s23 =	simm.s32 $0x1B8B  }
0xa8: {  	_ =	swait.ge [sflag:s23], $0x1  }
0xa9: {  	[sflag:s23] =	ssyncset.done $0x0  }
0xaa: {  	s25 =	simm.s32 $0x1B8E;
	s24 =	sld [smem:$0x3FFE];
	[sflag:s23] =	ssyncadd.s32 $0xFFFFFFFF  }
0xab: {  	s26 =	simm.s32 $execute0_lowered;
	[smem:$0x3FD2] =	sst s25  }
0xac: {  	s6 =	sshll.u32 s26, $0x1;
	_ =	strace $0x80000046;
	[dreg:$0x1] =	wrdreg $0xFFFFFFFF  }
0xad: {  	s28 =	simm.s32 $_size_execute0_lowered;
	s4 =	sadd.s32 s4, s6;
	[dreg:$0x0] =	wrdreg $0x0  }
0xae: {  	s6 =	sshll.u32 s28, $0x1;
	[dreg:$0x2] =	wrdreg s4  }
0xaf: {  	[dreg:$0x3] =	wrdreg s6  }
0xb0: {  	[dreg:$0x4] =	wrdreg $0xC0  }
0xb1: {  	_ =	task [dreg:s8], $0x5FFFF  }
0xb2: {  	[dreg:$0x1] =	wrdreg $0xFFFFFFFF  }
0xb3: {  	[dreg:$0x0] =	wrdreg $0x60  }
0xb4: {  	[dreg:$0x2] =	wrdreg s17  }
0xb5: {  	[dreg:$0x3] =	wrdreg s24  }
0xb6: {  	[dreg:$0x4] =	wrdreg s16  }
0xb7: {  	[dreg:$0x5] =	wrdreg $0x9  }
0xb8: {  	_ =	task.clear_ibuf [dreg:s8], $0x6FFFF;
	_ =	strace $0x90000046  }
0xb9: {  	s29 =	simm.s32 $0x9;
	_ =	strace $0x80000048  }
0xba: {  	_ =	swait.ge [sflag:s29], $0x1  }
0xbb: {  	[sflag:s29] =	ssyncadd.s32 $0xFFFFFFFF  }
0xbc: {  	_ =	strace $0x90000048  }
0xbd: {  	_ =	sfence  }
0xbe: {  	s30 =	sld [smem:$0x0];
	_ =	sdelay $0x2  }
0xbf: {  	s31 =	sshll.u32 s1, $0xD;
	s1 =	sshrl.u32 s1, $0x2  }
0xc0: {  	s3 =	sand.u32 $0x4000, s31;
	s1 =	sadd.s32 s1, s30  }
0xc1: {  	s0 =	sor.u32 s3, s0;
	s1 =	sshll.u32 s1, $0x11  }
0xc2: {  	s0 =	sor.u32 s1, s0  }
0xc3: {  	s0 =	sadd.s32 $0x8F2B, s0  }
0xc4: {  	[sflag:s0] =	ssyncadd.remote.s32 $0x1  }
0xc5: {  	_ =	sfence.sel $0xFFFF  }
0xc6: {  	[dreg:$0x0] =	wrdreg $0xFFFFFFFF;
	(pc) =	sbr.abs _section_cstart, $3  }
0xc7: {  	[dreg:$0x1] =	wrdreg $0xFFFFFFFF  }
0xc8: {  	_ =	task.clear_ibuf [dreg:s8], $0x2FFFF;
	_ =	strace $0x9FFFFFFF  }
0xc9: {  	(tm) =	ssettm $0x7FFFFFFF  }
tec
execute0_lowered:
.L_overlay_start_1:
0x0: {  	(tag) =	ssettag $0x1  }
0x1: {  	s0 =	rddreg [dreg:$0x0]  }
0x2: {  	s1 =	rddreg [dreg:$0x1]  }
0x3: {  	s2 =	rddreg [dreg:$0x2];
	s3 =	srdreg.scid  }
0x4: {  	s6 =	simm.s32 $0x0;
	s7 =	stileid.u32;
	s3 =	sand.u32 $0x1, s3  }
0x5: {  	s28 =	sshll.u32 s7, $0x9;
	s4 =	ssub.s32 $0x2, s3;
	s3 =	sshll.u32 s3, $0x8  }
0x6: {  	[smem:$0x7FF] =	sst s6;
	p0 =	sgt.u32 s7, $0x7;
	s3 =	sor.u32 s3, s28  }
0x7: {  	_ =	strace $0x80000047;
	s5 =	sshrl.u32 s4, $0x1;
	s0 =	sadd.s32 s0, s3  }
0x8: {  	s4 =	ssub.s32 s4, s5;
	s29 =	sadd.s32 s2, s3;
	[smem:$0x7F9] =	sst s0  }
0x9: {  	v0 =	vimm.s32 $0xECA86420;
	vm0 =	vcmask $0xB08;
	vm1 =	vcmask $0x1310;
	s5 =	simm.s32 $0x10000;
	[smem:$0x7FA] =	sst s29;
	s0 =	sadd.s32 $0x80, s29  }
0xa: {  	vm3 =	vmmov $0xff;
	v2 =	vimm.s32 $0x0;
	v0 =	vunpack.c.l.s4.s8 v0;
	s5 =	simm.s32 @!p0 $0xA00;
	s30 =	smax.u32 s4, $0x1;
	[smem:$0x7FB] =	sst s0  }
0xb: {  	vm2 =	vcmask $0x1B18;
	v1 =	vlaneseq.u32;
	v2 =	vsel vm3, $0xFFFFFFFF, v2;
	[smem:$0x7FC] =	sst s30;
	s31 =	sadd.s32 s5, s1  }
0xc: {  	vm8 =	vcmask $0x1714;
	v1 =	vmul.u32 $0x2, v1;
	[tilespmem:$0x1FFF0] =	vst v2;
	v0 =	vunpack.c.0.s8.s32 v0;
	s2 =	simm.s32 $0x0;
	s1 =	simm.s32 $0x2;
	[smem:$0x7FD] =	sst s31  }
.LBB2_1:
0xd: {  	s0 =	sld [smem:$0x7F9];
	_ =	sdelay $0x1  }
0xe: {  	[smem:$0x7F8] =	sst s2  }
0xf: {  	[tilespmem:s6], [sflag:$0x2] =	stream.linear.gather [hbm4b:s0+s6], $0x800, $0x38;
	[tilespmem:$0x1000] =	vst v63  }
0x10: {  	_ =	swait.ge [sflag:s1], $0x800  }
0x11: {  	[sflag:s1] =	ssyncset.done $0x0  }
0x12: {  	s30 =	simm.s32 $0x0;
	[sflag:s1] =	ssyncadd.s32 $0xFFFFF800  }
0x13: {  	v2 =	vld [tilespmem:s30+$0x0];
	_ =	sdelay $0x4  }
0x14: {  	(v2sf) =	vpush v2, $0xF  }
0x15: {  	(v2sf) =	vpush v2, $0xB;
	_ =	sdelay $0x1  }
0x16: {  	(v2sf) =	vpush v2, $0x6;
	_ =	sdelay $0x1  }
0x17: {  	(v2sf) =	vpush v2, $0xE;
	_ =	sdelay $0x1  }
0x18: {  	(v2sf) =	vpush v2, $0xA;
	_ =	sdelay $0x1  }
0x19: {  	(v2sf) =	vpush v2, $0xD;
	_ =	sdelay $0x1  }
0x1a: {  	(v2sf) =	vpush v2, $0x9;
	_ =	sdelay $0x1  }
0x1b: {  	(v2sf) =	vpush v2, $0x5;
	_ =	sdelay $0x1  }
0x1c: {  	(v2sf) =	vpush v2, $0xC;
	s26 =	spop (v2sf)  }
0x1d: {  	s29 =	spop (v2sf);
	s3 =	smulhi.u32 $0x431BDE83, s26  }
0x1e: {  	(v2sf) =	vpush v2, $0x8;
	s1 =	sshra.s32 s26, $0x1F;
	s4 =	smulhi.u32 $0x431BDE83, s29  }
0x1f: {  	s0 =	spop (v2sf);
	s1 =	smul.u32 $0x431BDE83, s1  }
0x20: {  	(v2sf) =	vpush v2, $0x4;
	s2 =	sshra.s32 s29, $0x1F;
	s28 =	smulhi.u32 $0x431BDE83, s0  }
0x21: {  	s5 =	spop (v2sf);
	s2 =	smul.u32 $0x431BDE83, s2  }
0x22: {  	(v2sf) =	vpush v2, $0x3;
	s0 =	sshra.s32 s0, $0x1F;
	s31 =	smulhi.u32 $0x431BDE83, s5  }
0x23: {  	s7 =	spop (v2sf);
	s0 =	smul.u32 $0x431BDE83, s0  }
0x24: {  	s5 =	sshra.s32 s5, $0x1F;
	s8 =	smulhi.u32 $0x431BDE83, s7  }
0x25: {  	(v2sf) =	vpush v2, $0x2;
	s9 =	spop (v2sf);
	s5 =	smul.u32 $0x431BDE83, s5  }
0x26: {  	(v2sf) =	vpush v2, $0x1;
	s7 =	sshra.s32 s7, $0x1F;
	s10 =	smulhi.u32 $0x431BDE83, s9  }
0x27: {  	s11 =	spop (v2sf);
	s23 =	smul.u32 $0x431BDE83, s7  }
0x28: {  	(v2sf) =	vpush v2, $0x0;
	s9 =	sshra.s32 s9, $0x1F;
	s12 =	smulhi.u32 $0x431BDE83, s11  }
0x29: {  	s13 =	spop (v2sf);
	s9 =	smul.u32 $0x431BDE83, s9  }
0x2a: {  	(v2sf) =	vpush v2, $0x7;
	s24 =	sshra.s32 s11, $0x1F;
	s14 =	smulhi.u32 $0x431BDE83, s13  }
0x2b: {  	s15 =	spop (v2sf);
	s11 =	smul.u32 $0x431BDE83, s24  }
0x2c: {  	s25 =	sshra.s32 s13, $0x1F;
	s16 =	smulhi.u32 $0x431BDE83, s15  }
0x2d: {  	s17 =	spop (v2sf);
	s26 =	sshra.s32 s15, $0x1F;
	s15 =	smul.u32 $0x431BDE83, s25  }
0x2e: {  	s19 =	smulhi.u32 $0x431BDE83, s17  }
0x2f: {  	s18 =	spop (v2sf);
	s13 =	smul.u32 $0x431BDE83, s26  }
0x30: {  	s29 =	sshra.s32 s17, $0x1F;
	s21 =	smulhi.u32 $0x431BDE83, s18  }
0x31: {  	s7 =	sadd.s32 s5, s31;
	s20 =	spop (v2sf);
	s5 =	smul.u32 $0x431BDE83, s29  }
0x32: {  	s31 =	sshra.s32 s18, $0x1F;
	s22 =	smulhi.u32 $0x431BDE83, s20  }
0x33: {  	s6 =	sadd.s32 s23, s8;
	s8 =	smul.u32 $0x431BDE83, s31;
	s20 =	sshra.s32 s20, $0x1F  }
0x34: {  	s31 =	smul.u32 $0x431BDE83, s20;
	s24 =	spop (v2sf)  }
0x35: {  	s3 =	sadd.s32 s1, s3;
	s1 =	spop (v2sf);
	s25 =	smulhi.u32 $0x431BDE83, s24  }
0x36: {  	s29 =	sshra.s32 s24, $0x1F;
	s17 =	smulhi.u32 $0x431BDE83, s1  }
0x37: {  	s13 =	sadd.s32 s13, s16;
	s18 =	spop (v2sf);
	s16 =	smul.u32 $0x431BDE83, s29  }
0x38: {  	s4 =	sadd.s32 s2, s4;
	s1 =	sshra.s32 s1, $0x1F;
	s26 =	smulhi.u32 $0x431BDE83, s18  }
0x39: {  	s23 =	sadd.s32 s9, s10;
	s9 =	spop (v2sf);
	s20 =	smul.u32 $0x431BDE83, s1  }
0x3a: {  	s12 =	sadd.s32 s11, s12;
	s11 =	smulhi.u32 $0x431BDE83, s9;
	s24 =	sshra.s32 s9, $0x1F  }
0x3b: {  	s2 =	sadd.s32 s15, s14;
	s29 =	sshra.s32 s18, $0x1F;
	s1 =	smul.u32 $0x431BDE83, s24  }
0x3c: {  	s14 =	sadd.s32 s5, s19;
	s5 =	sadd.s32 s8, s21;
	s8 =	smul.u32 $0x431BDE83, s29  }
0x3d: {  	s10 =	sadd.s32 s16, s25;
	s9 =	sadd.s32 s31, s22;
	s1 =	sadd.s32 s1, s11  }
0x3e: {  	s22 =	sshrl.u32 s14, $0x1F;
	s31 =	sadd.s32 s8, s26;
	s18 =	sshra.s32 s1, $0x1F  }
0x3f: {  	vm4 =	vcmask $0x300;
	vm9 =	vcmask $0x704;
	s25 =	sshra.s32 s14, $0xC;
	s8 =	sadd.s32 s20, s17;
	s21 =	sshra.s32 s31, $0xC;
	v3 =	vmov s18  }
0x40: {  	v8 =	vmov s22;
	v6 =	vmov s25;
	s20 =	sshrl.u32 s13, $0x1F;
	s13 =	sshra.s32 s13, $0xC;
	s24 =	sshra.s32 s31, $0x1F;
	v3 =	vsel vm4, s21, v3  }
0x41: {  	s19 =	sshrl.u32 s23, $0x1F;
	v5 =	vmov s20;
	v4 =	vmov s13;
	s11 =	sshrl.u32 s31, $0x1F;
	s26 =	sshra.s32 s8, $0xC;
	v7 =	vsel vm9, s24, v3  }
0x42: {  	s29 =	sshrl.u32 s12, $0x1F;
	s12 =	sshra.s32 s12, $0xC;
	s31 =	sshra.s32 s8, $0x1F;
	v3 =	vmov s11;
	vm9 =	vcmask $0xF0C;
	v9 =	vsel vm0, s26, v7  }
0x43: {  	s14 =	simm.s32 $0x40;
	s13 =	sshra.s32 s10, $0xC;
	s11 =	sshra.s32 s23, $0xC;
	v7 =	vsel vm0, s19, v5;
	v5 =	vsel vm0, s29, v8;
	v8 =	vsel vm9, s31, v9  }
.LBB2_2:
0x44: {  	v4 =	vsel vm0, s11, v4;
	v6 =	vsel vm0, s12, v6;
	v8 =	vsel vm1, s13, v8  }
0x45: {  	[dreg:$0x4] =	wrdreg s14;
	s20 =	sshrl.u32 s7, $0x1F;
	vm4 =	vcmask $0x300;
	vm13 =	vcmask $0x1F1C;
	vm5 =	vcmask $0x2320  }
0x46: {  	s21 =	sshra.s32 s10, $0x1F;
	s22 =	sshrl.u32 s6, $0x1F;
	s23 =	sshra.s32 s7, $0xC;
	vm14 =	vcmask $0x2724;
	vm6 =	vcmask $0x2B28;
	vm15 =	vcmask $0x2F2C  }
0x47: {  	s24 =	sshra.s32 s9, $0xC;
	s8 =	sshrl.u32 s8, $0x1F;
	s26 =	sshra.s32 s9, $0x1F;
	vm7 =	vcmask $0x3330;
	v7 =	vsel vm1, s20, v7;
	v3 =	vnsel vm4, $0x0, v3  }
0x48: {  	s29 =	sshrl.u32 s3, $0x1F;
	s31 =	sshrl.u32 s4, $0x1F;
	v8 =	vsel vm8, s21, v8;
	v5 =	vsel vm1, s22, v5;
	v3 =	vsel vm0, s8, v3;
	s8 =	sshrl.u32 s10, $0x1F  }
0x49: {  	s7 =	sshra.s32 s5, $0xC;
	s12 =	sshrl.u32 s9, $0x1F;
	s17 =	rddreg [dreg:$0x4];
	v8 =	vsel vm2, s24, v8;
	v7 =	vsel vm2, s29, v7;
	v3 =	vsel vm1, s8, v3  }
0x4a: {  	s13 =	sshra.s32 s4, $0xC;
	s15 =	sshrl.u32 s5, $0x1F;
	v5 =	vsel vm2, s31, v5;
	s4 =	sshra.s32 s17, $0x2;
	v8 =	vsel vm13, s26, v8;
	v3 =	vsel vm2, s12, v3  }
0x4b: {  	s25 =	sshra.s32 s6, $0xC;
	s11 =	sshra.s32 s5, $0x1F;
	v5 =	vcombine.low v5, v7;
	v8 =	vsel vm5, s7, v8;
	v7 =	vsel vm5, s15, v3;
	v3 =	vld [tilespmem:s4+$0x0]  }
0x4c: {  	p0 =	sne.s32 s14, $0xFC0;
	s14 =	sshra.s32 s2, $0xC;
	v4 =	vsel vm1, s23, v4;
	v6 =	vsel vm1, s25, v6;
	s10 =	sshra.s32 s3, $0xC;
	v8 =	vsel vm14, s11, v8  }
0x4d: {  	s16 =	sshra.s32 s2, $0x1F;
	s0 =	sadd.s32 s0, s28;
	v6 =	vsel vm2, s13, v6;
	v4 =	vsel vm2, s10, v4;
	v8 =	vsel vm6, s14, v8  }
0x4e: {  	vm3 =	vcmask $0x3734;
	s19 =	sshra.s32 s0, $0xC;
	v4 =	vcombine.low v6, v4;
	v8 =	vsel vm15, s16, v8  }
0x4f: {  	s18 =	sshrl.u32 s2, $0x1F;
	vm8 =	vcmask $0x3B38;
	v5 =	vperm.xlane v5, v0;
	v6 =	vsel vm7, s19, v8;
	v8 =	vld [tilespmem:$0x1FFF0]  }
0x50: {  	s20 =	sshrl.u32 s0, $0x1F;
	s0 =	sshra.s32 s0, $0x1F;
	v7 =	vsel vm6, s18, v7;
	v4 =	vperm.xlane v4, v0;
	(v2sf) =	vpush v3, $0xF  }
0x51: {  	s21 =	sshrl.u32 s1, $0x1F;
	s22 =	sshra.s32 s1, $0xC;
	v7 =	vsel vm7, s20, v7;
	v6 =	vsel vm3, s0, v6;
	(v2sf) =	vpush v3, $0xB  }
0x52: {  	v7 =	vsel vm8, s21, v7;
	v6 =	vsel vm8, s22, v6;
	(v2sf) =	vpush v3, $0x6  }
0x53: {  	v7 =	vperm.xlane v7, v1;
	v6 =	vperm.xlane v6, v1  }
0x54: {  	vm12 =	vnez.u8 v8;
	(v2sf) =	vpush v3, $0xE  }
0x55: {  	v5 =	vsel vm12, v7, v5;
	v4 =	vsel vm12, v6, v4  }
0x56: {  	(v2sf) =	vpush v3, $0xA;
	v4 =	vadd.s32 v5, v4  }
0x57: {  	v4 =	vmul.u32 $0x3D09, v4  }
0x58: {  	(v2sf) =	vpush v3, $0xD  }
0x59: {  	v4 =	vsub.s32 v2, v4  }
0x5a: {  	(v2sf) =	vpush v3, $0x9;
	vm9 =	vlt.s32 v4, $0x0;
	v5 =	vadd.s32 $0x3D09, v4  }
0x5b: {  	v4 =	vsel vm9, v5, v4  }
0x5c: {  	(v2sf) =	vpush v3, $0x5;
	v4 =	vmul.u32 $0x363E, v4  }
0x5d: {  	(v2sf) =	vpush v3, $0xC  }
0x5e: {  	(v2sf) =	vpush v4, $0xF  }
0x5f: {  	(v2sf) =	vpush v4, $0xB;
	s23 =	spop (v2sf)  }
0x60: {  	s0 =	smulhi.u32 $0x431BDE83, s23;
	s24 =	spop (v2sf)  }
0x61: {  	s25 =	spop (v2sf)  }
0x62: {  	(v2sf) =	vpush v4, $0x6;
	[dreg:$0xa] =	wrdreg s0;
	s0 =	smulhi.u32 $0x431BDE83, s24  }
0x63: {  	[smem:$0x7F7] =	sst s30;
	(v2sf) =	vpush v4, $0xE;
	s26 =	spop (v2sf)  }
0x64: {  	[dreg:$0x8] =	wrdreg s0;
	s0 =	smulhi.u32 $0x431BDE83, s25  }
0x65: {  	[dreg:$0x6] =	wrdreg s4;
	(v2sf) =	vpush v4, $0xA;
	s29 =	spop (v2sf)  }
0x66: {  	[smem:$0x7ED] =	sst s0;
	s0 =	smulhi.u32 $0x431BDE83, s26  }
0x67: {  	[smem:$0x7F2] =	sst s23;
	s31 =	spop (v2sf)  }
0x68: {  	[dreg:$0xc] =	wrdreg s0;
	s0 =	smulhi.u32 $0x431BDE83, s29  }
0x69: {  	[dreg:$0x1e] =	wrdreg s24;
	(v2sf) =	vpush v4, $0xD;
	s1 =	spop (v2sf)  }
0x6a: {  	(v2sf) =	vpush v4, $0x9;
	[dreg:$0xe] =	wrdreg s0;
	s0 =	smulhi.u32 $0x431BDE83, s31  }
0x6b: {  	[smem:$0x7F3] =	sst s25;
	s2 =	spop (v2sf)  }
0x6c: {  	s3 =	spop (v2sf);
	[dreg:$0x10] =	wrdreg s0  }
0x6d: {  	s0 =	smulhi.u32 $0x431BDE83, s1;
	s4 =	spop (v2sf)  }
0x6e: {  	(v2sf) =	vpush v4, $0x5;
	s10 =	smulhi.u32 $0x431BDE83, s4;
	s11 =	spop (v2sf)  }
0x6f: {  	[dreg:$0x12] =	wrdreg s0;
	s0 =	smulhi.u32 $0x431BDE83, s2  }
0x70: {  	[smem:$0x7F4] =	sst s26;
	(v2sf) =	vpush v4, $0xC;
	s5 =	smulhi.u32 $0x431BDE83, s11  }
0x71: {  	s6 =	spop (v2sf);
	[smem:$0x7EA] =	sst s10  }
0x72: {  	(v2sf) =	vpush v4, $0x8;
	s9 =	smulhi.u32 $0x431BDE83, s6;
	s10 =	spop (v2sf)  }
0x73: {  	[dreg:$0x14] =	wrdreg s0;
	s0 =	smulhi.u32 $0x431BDE83, s3  }
0x74: {  	(v2sf) =	vpush v4, $0x4;
	s15 =	smulhi.u32 $0x431BDE83, s10;
	s16 =	spop (v2sf)  }
0x75: {  	[dreg:$0x1c] =	wrdreg s3;
	s3 =	sshra.s32 s4, $0x1F;
	s14 =	smulhi.u32 $0x431BDE83, s16  }
0x76: {  	[smem:$0x7F5] =	sst s29;
	(v2sf) =	vpush v4, $0x3;
	s4 =	sshra.s32 s11, $0x1F;
	s12 =	smul.u32 $0x431BDE83, s3  }
0x77: {  	[smem:$0x7EB] =	sst s5;
	s5 =	sshra.s32 s6, $0x1F;
	s11 =	smul.u32 $0x431BDE83, s4  }
0x78: {  	(v2sf) =	vpush v4, $0x2;
	s6 =	sshra.s32 s10, $0x1F;
	s21 =	spop (v2sf);
	s10 =	smul.u32 $0x431BDE83, s5  }
0x79: {  	s19 =	smulhi.u32 $0x431BDE83, s21;
	s25 =	spop (v2sf)  }
0x7a: {  	[smem:$0x7F6] =	sst s31;
	(v2sf) =	vpush v4, $0x1;
	s13 =	smulhi.u32 $0x431BDE83, s25  }
0x7b: {  	s16 =	sshra.s32 s16, $0x1F;
	[smem:$0x7F0] =	sst s10;
	s10 =	smul.u32 $0x431BDE83, s6  }
0x7c: {  	[dreg:$0x18] =	wrdreg s1;
	(v2sf) =	vpush v4, $0x0;
	s21 =	sshra.s32 s21, $0x1F;
	s6 =	smul.u32 $0x431BDE83, s16  }
0x7d: {  	s28 =	spop (v2sf);
	s21 =	smul.u32 $0x431BDE83, s21  }
0x7e: {  	[dreg:$0x19] =	wrdreg s2;
	(v2sf) =	vpush v4, $0x7;
	s25 =	sshra.s32 s25, $0x1F;
	s20 =	smulhi.u32 $0x431BDE83, s28  }
0x7f: {  	s30 =	spop (v2sf);
	s5 =	smul.u32 $0x431BDE83, s25  }
0x80: {  	[smem:$0x7EF] =	sst s9;
	s3 =	sshra.s32 s28, $0x1F;
	s23 =	smulhi.u32 $0x431BDE83, s30  }
0x81: {  	s31 =	spop (v2sf);
	s28 =	smul.u32 $0x431BDE83, s3  }
0x82: {  	[dreg:$0x16] =	wrdreg s0;
	s4 =	sshra.s32 s30, $0x1F;
	s22 =	smulhi.u32 $0x431BDE83, s31  }
0x83: {  	s17 =	spop (v2sf);
	s25 =	smul.u32 $0x431BDE83, s4  }
0x84: {  	[smem:$0x7EC] =	sst s15;
	s16 =	sshra.s32 s31, $0x1F;
	s24 =	smulhi.u32 $0x431BDE83, s17  }
0x85: {  	s21 =	sadd.s32 s21, s19;
	s0 =	spop (v2sf);
	s4 =	smul.u32 $0x431BDE83, s16  }
0x86: {  	s19 =	sld [smem:$0x7EC];
	s17 =	sshra.s32 s17, $0x1F;
	s8 =	smulhi.u32 $0x431BDE83, s0  }
0x87: {  	s1 =	spop (v2sf);
	s3 =	smul.u32 $0x431BDE83, s17  }
0x88: {  	s5 =	sadd.s32 s5, s13;
	s0 =	sshra.s32 s0, $0x1F;
	s15 =	smulhi.u32 $0x431BDE83, s1  }
0x89: {  	s13 =	sadd.s32 s28, s20;
	s2 =	spop (v2sf);
	s16 =	smul.u32 $0x431BDE83, s0  }
0x8a: {  	s20 =	sshra.s32 s21, $0xC;
	s1 =	sshra.s32 s1, $0x1F;
	s18 =	smulhi.u32 $0x431BDE83, s2  }
0x8b: {  	s10 =	sadd.s32 s10, s19;
	s7 =	spop (v2sf);
	s1 =	smul.u32 $0x431BDE83, s1  }
0x8c: {  	[smem:$0x7EE] =	sst s8;
	s17 =	sshra.s32 s2, $0x1F;
	s26 =	smulhi.u32 $0x431BDE83, s7  }
0x8d: {  	s19 =	sadd.s32 s6, s14;
	s8 =	spop (v2sf);
	s0 =	smul.u32 $0x431BDE83, s17  }
0x8e: {  	(v2sf) =	vpush v3, $0x8;
	s7 =	sshra.s32 s7, $0x1F;
	s17 =	sld [smem:$0x7EA];
	s29 =	smulhi.u32 $0x431BDE83, s8  }
0x8f: {  	s4 =	sadd.s32 s4, s22;
	s7 =	smul.u32 $0x431BDE83, s7;
	s8 =	sshra.s32 s8, $0x1F  }
0x90: {  	(v2sf) =	vpush v3, $0x4;
	s14 =	sadd.s32 s3, s24;
	s15 =	sadd.s32 s1, s15;
	s8 =	smul.u32 $0x431BDE83, s8  }
0x91: {  	s0 =	sadd.s32 s0, s18;
	s12 =	sadd.s32 s12, s17;
	s17 =	sld [smem:$0x7EB]  }
0x92: {  	(v2sf) =	vpush v3, $0x3;
	s22 =	sadd.s32 s7, s26;
	s26 =	sshrl.u32 s4, $0x1F;
	s4 =	sshra.s32 s4, $0xC  }
0x93: {  	(v2sf) =	vpush v3, $0x2;
	s7 =	sshrl.u32 s21, $0x1F;
	s18 =	sshra.s32 s0, $0x1F;
	s21 =	sshra.s32 s5, $0xC  }
0x94: {  	s8 =	sadd.s32 s8, s29;
	s29 =	sshra.s32 s22, $0x1F;
	s3 =	sshrl.u32 s22, $0x1F;
	v10 =	vmov s4  }
0x95: {  	(v2sf) =	vpush v3, $0x1;
	v7 =	vmov s26;
	s26 =	sshrl.u32 s19, $0x1F;
	s4 =	sshrl.u32 s13, $0x1F;
	v10 =	vsel vm0, s21, v10;
	s21 =	sshra.s32 s14, $0x1F  }
0x96: {  	v9 =	vmov s3;
	s3 =	sshra.s32 s13, $0x1F;
	s11 =	sadd.s32 s11, s17;
	s17 =	sadd.s32 s25, s23  }
0x97: {  	s23 =	sshra.s32 s8, $0x1F;
	s25 =	sshra.s32 s22, $0xC;
	s22 =	sshra.s32 s15, $0xC  }
0x98: {  	vm10 =	vcmask $0x704;
	s24 =	sshrl.u32 s17, $0x1F;
	v5 =	vmov s23;
	s6 =	sshra.s32 s17, $0xC;
	s17 =	sshrl.u32 s5, $0x1F  }
0x99: {  	s23 =	sshrl.u32 s10, $0x1F;
	v6 =	vmov s24;
	v5 =	vsel vm4, s25, v5;
	v8 =	vmov s6;
	s6 =	sshra.s32 s0, $0xC;
	s24 =	sld [smem:$0x7EE]  }
0x9a: {  	v7 =	vsel vm0, s17, v7;
	s25 =	sshra.s32 s15, $0x1F;
	s0 =	sshrl.u32 s0, $0x1F;
	s17 =	sshrl.u32 s11, $0x1F;
	v5 =	vsel vm10, s29, v5  }
0x9b: {  	v6 =	vsel vm0, s7, v6;
	v8 =	vsel vm0, s20, v8;
	s29 =	sshra.s32 s10, $0xC;
	v7 =	vsel vm1, s26, v7;
	s7 =	sshra.s32 s19, $0xC;
	s26 =	sld [smem:$0x7EF]  }
0x9c: {  	vm11 =	vcmask $0xF0C;
	s19 =	sshrl.u32 s15, $0x1F;
	s20 =	sshra.s32 s12, $0xC;
	v8 =	vsel vm1, s29, v8;
	s29 =	sld [smem:$0x7F0]  }
0x9d: {  	v5 =	vsel vm0, s6, v5;
	v6 =	vsel vm1, s23, v6;
	v7 =	vsel vm2, s17, v7;
	s23 =	sshra.s32 s11, $0xC;
	s17 =	sld [smem:$0x7F4];
	s30 =	spop (v2sf)  }
0x9e: {  	v5 =	vsel vm11, s18, v5;
	s6 =	sadd.s32 s16, s24;
	s16 =	sshrl.u32 s12, $0x1F;
	s18 =	sshra.s32 s14, $0xC  }
0x9f: {  	vm9 =	vcmask $0x1714;
	v9 =	vnsel vm4, $0x0, v9;
	s24 =	sshra.s32 s13, $0xC;
	s31 =	spop (v2sf);
	v5 =	vsel vm1, s22, v5;
	s5 =	sshra.s32 s6, $0xC  }
0xa0: {  	v9 =	vsel vm0, s0, v9;
	s10 =	sshra.s32 s6, $0x1F;
	s22 =	sshrl.u32 s6, $0x1F;
	s1 =	smulhi.u32 $0x431BDE83, s30;
	v5 =	vsel vm9, s25, v5  }
0xa1: {  	v10 =	vsel vm1, s7, v10;
	v9 =	vsel vm1, s19, v9;
	[smem:$0x7F1] =	sst s31;
	s31 =	spop (v2sf);
	s25 =	sshrl.u32 s14, $0x1F;
	v5 =	vsel vm2, s5, v5  }
0xa2: {  	v6 =	vsel vm2, s16, v6;
	v9 =	vsel vm2, s22, v9;
	s2 =	spop (v2sf);
	s5 =	sadd.s32 s29, s26;
	s7 =	sld [smem:$0x7F1];
	v5 =	vsel vm13, s10, v5  }
0xa3: {  	v6 =	vcombine.low v7, v6;
	v7 =	vsel vm5, s25, v9;
	s13 =	smulhi.u32 $0x431BDE83, s31;
	s25 =	sshrl.u32 s8, $0x1F;
	s26 =	sshra.s32 s8, $0xC;
	v5 =	vsel vm5, s18, v5  }
0xa4: {  	v10 =	vsel vm2, s23, v10;
	s9 =	spop (v2sf);
	s6 =	sshra.s32 s5, $0xC;
	s23 =	sshrl.u32 s5, $0x1F;
	v5 =	vsel vm14, s21, v5  }
0xa5: {  	s8 =	smulhi.u32 $0x431BDE83, s2;
	v5 =	vsel vm6, s24, v5;
	s24 =	sshra.s32 s5, $0x1F;
	s5 =	sld [smem:$0x7F2]  }
0xa6: {  	v8 =	vsel vm2, s20, v8;
	s20 =	rddreg [dreg:$0x18];
	(v2sf) =	vpush v3, $0x0;
	s2 =	sshra.s32 s2, $0x1F;
	s14 =	smulhi.u32 $0x431BDE83, s9  }
0xa7: {  	v7 =	vsel vm6, s4, v7;
	(v2sf) =	vpush v3, $0x7;
	s18 =	sld [smem:$0x7F5];
	s12 =	smulhi.u32 $0x431BDE83, s7;
	s21 =	sshra.s32 s7, $0x1F  }
0xa8: {  	v7 =	vsel vm7, s23, v7;
	s23 =	rddreg [dreg:$0x1c];
	s21 =	smul.u32 $0x431BDE83, s21;
	v5 =	vsel vm15, s3, v5;
	s0 =	sshra.s32 s5, $0x1F  }
0xa9: {  	s9 =	sshra.s32 s9, $0x1F;
	v5 =	vsel vm7, s6, v5;
	s5 =	sshra.s32 s17, $0x1F;
	s3 =	smul.u32 $0x431BDE83, s0  }
0xaa: {  	s6 =	rddreg [dreg:$0x1e];
	v5 =	vsel vm3, s24, v5;
	s24 =	sshra.s32 s30, $0x1F;
	s5 =	smul.u32 $0x431BDE83, s5  }
0xab: {  	v8 =	vcombine.low v10, v8;
	s0 =	sshra.s32 s6, $0x1F;
	s6 =	sshra.s32 s18, $0x1F;
	s17 =	smul.u32 $0x431BDE83, s24  }
0xac: {  	s18 =	sshra.s32 s20, $0x1F;
	s20 =	sshra.s32 s23, $0x1F;
	s23 =	smul.u32 $0x431BDE83, s2  }
0xad: {  	s28 =	sld [smem:$0x7ED];
	v8 =	vperm.xlane v8, v0;
	s24 =	smul.u32 $0x431BDE83, s9  }
0xae: {  	v6 =	vperm.xlane v6, v0;
	s10 =	sld [smem:$0x7F3];
	v7 =	vsel vm8, s25, v7;
	v5 =	vsel vm8, s26, v5;
	s4 =	smul.u32 $0x431BDE83, s0  }
0xaf: {  	s19 =	sld [smem:$0x7F6];
	v7 =	vperm.xlane v7, v1;
	v5 =	vperm.xlane v5, v1;
	s6 =	smul.u32 $0x431BDE83, s6  }
0xb0: {  	s22 =	rddreg [dreg:$0x19];
	s18 =	smul.u32 $0x431BDE83, s18  }
0xb1: {  	s25 =	sshra.s32 s31, $0x1F;
	v6 =	vsel vm12, v7, v6;
	s0 =	sshra.s32 s10, $0x1F;
	s20 =	smul.u32 $0x431BDE83, s20;
	v5 =	vsel vm12, v5, v8  }
0xb2: {  	s10 =	sshra.s32 s19, $0x1F;
	s19 =	sshra.s32 s22, $0x1F;
	s22 =	smul.u32 $0x431BDE83, s25;
	v5 =	vadd.s32 v6, v5  }
0xb3: {  	s31 =	rddreg [dreg:$0x6];
	s0 =	smul.u32 $0x431BDE83, s0;
	v5 =	vmul.u32 $0x3D09, v5  }
0xb4: {  	s30 =	smov.u32 s31;
	s31 =	rddreg [dreg:$0x8];
	s10 =	smul.u32 $0x431BDE83, s10  }
0xb5: {  	s19 =	smul.u32 $0x431BDE83, s19;
	v4 =	vsub.s32 v4, v5;
	s29 =	spop (v2sf)  }
0xb6: {  	s17 =	sadd.s32 s17, s1;
	v5 =	vmul.u32 $0x11, v2;
	vm9 =	vlt.s32 v4, $0x0;
	v6 =	vadd.s32 $0x3D09, v4;
	s16 =	spop (v2sf);
	s26 =	sshra.s32 s29, $0x1F  }
0xb7: {  	v2 =	vmov v3;
	v3 =	vsel vm9, v6, v4;
	s11 =	smulhi.u32 $0x431BDE83, s16;
	s9 =	sshra.s32 s16, $0x1F;
	s16 =	rddreg [dreg:$0xa]  }
0xb8: {  	s4 =	sadd.s32 s4, s31;
	v4 =	vsub.s32 v5, v3;
	s25 =	smul.u32 $0x431BDE83, s26;
	s26 =	rddreg [dreg:$0xc]  }
0xb9: {  	s15 =	smulhi.u32 $0x431BDE83, s29;
	v4 =	vmul.u32 $0x19, v4;
	s7 =	sadd.s32 s5, s26;
	s5 =	rddreg [dreg:$0x10]  }
0xba: {  	s3 =	sadd.s32 s3, s16;
	s16 =	smul.u32 $0x431BDE83, s9;
	s9 =	rddreg [dreg:$0x12]  }
0xbb: {  	s29 =	sld [smem:$0x7F7];
	s26 =	sadd.s32 s10, s5;
	s18 =	sadd.s32 s18, s9;
	v4 =	vand.u32 $0x1F, v4  }
0xbc: {  	s10 =	rddreg [dreg:$0x14];
	s5 =	sadd.s32 s21, s12;
	s9 =	sadd.s32 s22, s13;
	v4 =	vmul.u32 $0x3D09, v4  }
0xbd: {  	s25 =	sadd.s32 s25, s15;
	s2 =	sadd.s32 s19, s10;
	s19 =	rddreg [dreg:$0x16]  }
0xbe: {  	s10 =	sadd.s32 s23, s8;
	s1 =	sadd.s32 s16, s11;
	s8 =	sadd.s32 s24, s14;
	v3 =	vadd.s32 v3, v4  }
0xbf: {  	s31 =	sshrl.u32 s26, $0x1F;
	s15 =	sshra.s32 s25, $0xC;
	[tilespmem:s29+$0x800] =	vst v3;
	s29 =	rddreg [dreg:$0xe]  }
0xc0: {  	s22 =	sshra.s32 s25, $0x1F;
	s6 =	sadd.s32 s6, s29;
	s29 =	sshra.s32 s1, $0x1F  }
.Ltmp0:
0xc1: {  	s23 =	sshra.s32 s17, $0xC;
	s19 =	sadd.s32 s20, s19;
	v3 =	vmov s29;
	(pc) =	sbr.rel @p0 .LBB2_2-.Ltmp0, $4  }
0xc2: {  	vm8 =	vcmask $0x1714;
	s11 =	sshrl.u32 s25, $0x1F;
	s20 =	sshrl.u32 s17, $0x1F;
	v6 =	vmov s23;
	s16 =	sshrl.u32 s19, $0x1F;
	v3 =	vsel vm4, s15, v3  }
0xc3: {  	s25 =	sshrl.u32 s18, $0x1F;
	s24 =	sshra.s32 s8, $0xC;
	s21 =	sshra.s32 s19, $0xC;
	v8 =	vmov s20;
	v5 =	vmov s16;
	v7 =	vsel vm10, s22, v3  }
0xc4: {  	s12 =	sshra.s32 s18, $0xC;
	v4 =	vmov s21;
	s29 =	sshra.s32 s8, $0x1F;
	v9 =	vsel vm0, s24, v7;
	v7 =	vsel vm0, s31, v5;
	s31 =	rddreg [dreg:$0x4]  }
0xc5: {  	s13 =	sshra.s32 s10, $0xC;
	v3 =	vmov s11;
	s11 =	sshra.s32 s26, $0xC;
	v5 =	vsel vm0, s25, v8;
	v8 =	vsel vm11, s29, v9;
	s14 =	sadd.s32 $0x40, s31  }
0xc6: {  	v4 =	vsel vm0, s11, v4;
	v6 =	vsel vm0, s12, v6;
	v8 =	vsel vm1, s13, v8  }
0xc7: {  	vm4 =	vcmask $0x300;
	vm13 =	vcmask $0x1F1C;
	vm5 =	vcmask $0x2320  }
0xc8: {  	s14 =	sshrl.u32 s7, $0x1F;
	s24 =	sshra.s32 s10, $0x1F;
	vm14 =	vcmask $0x2724;
	vm6 =	vcmask $0x2B28;
	vm15 =	vcmask $0x2F2C  }
0xc9: {  	s25 =	sshrl.u32 s6, $0x1F;
	s31 =	sshra.s32 s9, $0xC;
	vm7 =	vcmask $0x3330;
	v7 =	vsel vm1, s14, v7;
	v8 =	vsel vm8, s24, v8  }
0xca: {  	s26 =	sshra.s32 s7, $0xC;
	s12 =	sshra.s32 s6, $0xC;
	s13 =	sshra.s32 s9, $0x1F;
	v3 =	vnsel vm4, $0x0, v3;
	v5 =	vsel vm1, s25, v5;
	v8 =	vsel vm2, s31, v8  }
0xcb: {  	s8 =	sshrl.u32 s8, $0x1F;
	s16 =	sshra.s32 s5, $0xC;
	v4 =	vsel vm1, s26, v4;
	s14 =	sshrl.u32 s3, $0x1F;
	v6 =	vsel vm1, s12, v6;
	v8 =	vsel vm13, s13, v8  }
0xcc: {  	s15 =	sshrl.u32 s4, $0x1F;
	s18 =	sshra.s32 s3, $0xC;
	s19 =	sshra.s32 s5, $0x1F;
	v3 =	vsel vm0, s8, v3;
	v7 =	vsel vm2, s14, v7;
	v8 =	vsel vm5, s16, v8  }
0xcd: {  	s17 =	sshrl.u32 s10, $0x1F;
	s21 =	sshra.s32 s4, $0xC;
	s22 =	sshra.s32 s2, $0xC;
	v5 =	vsel vm2, s15, v5;
	v4 =	vsel vm2, s18, v4;
	v8 =	vsel vm14, s19, v8  }
0xce: {  	s20 =	sshrl.u32 s9, $0x1F;
	s0 =	sadd.s32 s0, s28;
	s24 =	sshra.s32 s2, $0x1F;
	v6 =	vsel vm2, s21, v6;
	v3 =	vsel vm1, s17, v3;
	v8 =	vsel vm6, s22, v8  }
0xcf: {  	s23 =	sshrl.u32 s5, $0x1F;
	s26 =	sshra.s32 s0, $0xC;
	v5 =	vcombine.low v5, v7;
	v3 =	vsel vm2, s20, v3;
	v7 =	vsel vm15, s24, v8  }
0xd0: {  	s25 =	sshrl.u32 s2, $0x1F;
	v4 =	vcombine.low v6, v4;
	v3 =	vsel vm5, s23, v3;
	v6 =	vsel vm7, s26, v7;
	v7 =	vld [tilespmem:$0x1FFF0]  }
0xd1: {  	vm3 =	vcmask $0x3734;
	vm11 =	vcmask $0x3B38;
	s31 =	sshrl.u32 s0, $0x1F;
	s0 =	sshra.s32 s0, $0x1F;
	v3 =	vsel vm6, s25, v3  }
0xd2: {  	s4 =	sshrl.u32 s1, $0x1F;
	s5 =	sshra.s32 s1, $0xC;
	v5 =	vperm.xlane v5, v0;
	v3 =	vsel vm7, s31, v3;
	v6 =	vsel vm3, s0, v6  }
0xd3: {  	v4 =	vperm.xlane v4, v0;
	v3 =	vsel vm11, s4, v3;
	v6 =	vsel vm11, s5, v6  }
0xd4: {  	v3 =	vperm.xlane v3, v1;
	v6 =	vperm.xlane v6, v1  }
0xd5: {  	vm12 =	vnez.u8 v7  }
0xd6: {  	v3 =	vsel vm12, v3, v5;
	v4 =	vsel vm12, v6, v4  }
0xd7: {  	v3 =	vadd.s32 v3, v4  }
0xd8: {  	v3 =	vmul.u32 $0x3D09, v3;
	_ =	sdelay $0x1  }
0xd9: {  	v3 =	vsub.s32 v2, v3  }
0xda: {  	vm9 =	vlt.s32 v3, $0x0;
	v4 =	vadd.s32 $0x3D09, v3  }
0xdb: {  	v3 =	vsel vm9, v4, v3  }
0xdc: {  	v3 =	vmul.u32 $0x363E, v3;
	_ =	sdelay $0x1  }
0xdd: {  	(v2sf) =	vpush v3, $0xF  }
0xde: {  	(v2sf) =	vpush v3, $0xB;
	_ =	sdelay $0x1  }
0xdf: {  	(v2sf) =	vpush v3, $0x6  }
0xe0: {  	(v2sf) =	vpush v3, $0xE  }
0xe1: {  	(v2sf) =	vpush v3, $0xA  }
0xe2: {  	(v2sf) =	vpush v3, $0xD  }
0xe3: {  	(v2sf) =	vpush v3, $0x9  }
0xe4: {  	(v2sf) =	vpush v3, $0x5  }
0xe5: {  	(v2sf) =	vpush v3, $0xC  }
0xe6: {  	(v2sf) =	vpush v3, $0x8;
	_ =	sdelay $0x2  }
0xe7: {  	(v2sf) =	vpush v3, $0x4  }
0xe8: {  	(v2sf) =	vpush v3, $0x3  }
0xe9: {  	s6 =	spop (v2sf)  }
0xea: {  	s2 =	smulhi.u32 $0x431BDE83, s6;
	s7 =	spop (v2sf)  }
0xeb: {  	s1 =	sshra.s32 s6, $0x1F;
	s5 =	smulhi.u32 $0x431BDE83, s7  }
0xec: {  	s9 =	spop (v2sf);
	s24 =	smul.u32 $0x431BDE83, s1  }
0xed: {  	s4 =	sshra.s32 s7, $0x1F;
	s0 =	smulhi.u32 $0x431BDE83, s9;
	s11 =	spop (v2sf)  }
0xee: {  	s25 =	smul.u32 $0x431BDE83, s4;
	s13 =	spop (v2sf)  }
0xef: {  	s6 =	sshra.s32 s9, $0x1F;
	s8 =	smulhi.u32 $0x431BDE83, s11;
	s26 =	spop (v2sf)  }
0xf0: {  	s1 =	smul.u32 $0x431BDE83, s6;
	s31 =	spop (v2sf)  }
0xf1: {  	s7 =	sshra.s32 s11, $0x1F;
	s10 =	smulhi.u32 $0x431BDE83, s13;
	s15 =	spop (v2sf)  }
0xf2: {  	s6 =	smul.u32 $0x431BDE83, s7;
	s17 =	spop (v2sf);
	(v2sf) =	vpush v3, $0x2  }
0xf3: {  	s9 =	sshra.s32 s13, $0x1F;
	s12 =	smulhi.u32 $0x431BDE83, s26;
	s19 =	spop (v2sf);
	(v2sf) =	vpush v3, $0x1  }
0xf4: {  	s9 =	smul.u32 $0x431BDE83, s9  }
0xf5: {  	s11 =	sshra.s32 s26, $0x1F;
	s14 =	smulhi.u32 $0x431BDE83, s31  }
0xf6: {  	s7 =	smul.u32 $0x431BDE83, s11;
	s21 =	spop (v2sf);
	(v2sf) =	vpush v3, $0x0  }
0xf7: {  	s13 =	sshra.s32 s31, $0x1F;
	s16 =	smulhi.u32 $0x431BDE83, s15;
	s23 =	spop (v2sf);
	(v2sf) =	vpush v3, $0x7  }
0xf8: {  	s11 =	smul.u32 $0x431BDE83, s13  }
0xf9: {  	s15 =	sshra.s32 s15, $0x1F;
	s18 =	smulhi.u32 $0x431BDE83, s17  }
0xfa: {  	s15 =	smul.u32 $0x431BDE83, s15  }
0xfb: {  	s17 =	sshra.s32 s17, $0x1F;
	s20 =	smulhi.u32 $0x431BDE83, s19  }
0xfc: {  	s13 =	smul.u32 $0x431BDE83, s17  }
0xfd: {  	s19 =	sshra.s32 s19, $0x1F;
	s22 =	smulhi.u32 $0x431BDE83, s21  }
0xfe: {  	s17 =	smul.u32 $0x431BDE83, s19  }
0xff: {  	s21 =	sshra.s32 s21, $0x1F;
	s3 =	smulhi.u32 $0x431BDE83, s23  }
0x100: {  	s26 =	sshra.s32 s23, $0x1F;
	s21 =	smul.u32 $0x431BDE83, s21  }
0x101: {  	s19 =	smul.u32 $0x431BDE83, s26;
	s31 =	spop (v2sf)  }
0x102: {  	s4 =	sadd.s32 s24, s2;
	s26 =	smulhi.u32 $0x431BDE83, s31;
	s28 =	spop (v2sf)  }
0x103: {  	s5 =	sadd.s32 s25, s5;
	s24 =	sshra.s32 s31, $0x1F;
	s23 =	smulhi.u32 $0x431BDE83, s28  }
0x104: {  	s8 =	sadd.s32 s6, s8;
	s31 =	sshra.s32 s28, $0x1F;
	s28 =	smul.u32 $0x431BDE83, s24  }
0x105: {  	s9 =	sadd.s32 s9, s10;
	s2 =	spop (v2sf);
	s24 =	smul.u32 $0x431BDE83, s31  }
0x106: {  	s12 =	sadd.s32 s7, s12;
	s31 =	spop (v2sf);
	s10 =	smulhi.u32 $0x431BDE83, s2  }
0x107: {  	s11 =	sadd.s32 s11, s14;
	s29 =	smulhi.u32 $0x431BDE83, s31;
	s7 =	sshra.s32 s31, $0x1F  }
0x108: {  	s6 =	sadd.s32 s15, s16;
	s2 =	sshra.s32 s2, $0x1F;
	s25 =	smul.u32 $0x431BDE83, s7  }
0x109: {  	s13 =	sadd.s32 s13, s18;
	s15 =	sadd.s32 s17, s20;
	s31 =	smul.u32 $0x431BDE83, s2  }
0x10a: {  	s16 =	sshra.s32 s15, $0xC;
	s14 =	sadd.s32 s28, s26;
	s2 =	sadd.s32 s25, s29  }
0x10b: {  	s7 =	sadd.s32 s21, s22;
	s10 =	sadd.s32 s31, s10;
	s21 =	sshra.s32 s2, $0x1F  }
0x10c: {  	vm10 =	vcmask $0xF0C;
	vm9 =	vcmask $0x704;
	s26 =	sshrl.u32 s15, $0x1F;
	s22 =	sshrl.u32 s13, $0x1F;
	s25 =	sshra.s32 s10, $0xC;
	v4 =	vmov s21  }
0x10d: {  	v9 =	vmov s16;
	s18 =	sadd.s32 s24, s23;
	s13 =	sshra.s32 s13, $0xC;
	v6 =	vmov s26;
	s31 =	sshra.s32 s10, $0x1F;
	v4 =	vsel vm4, s25, v4  }
0x10e: {  	v5 =	vmov s22;
	v7 =	vmov s13;
	s20 =	sshra.s32 s18, $0xC;
	s22 =	sshrl.u32 s11, $0x1F;
	s11 =	sshra.s32 s11, $0xC;
	v4 =	vsel vm9, s31, v4  }
0x10f: {  	s15 =	sshra.s32 s9, $0xC;
	s23 =	sshra.s32 s18, $0x1F;
	s10 =	sshrl.u32 s10, $0x1F;
	v6 =	vsel vm0, s22, v6;
	v9 =	vsel vm0, s11, v9;
	v4 =	vsel vm0, s20, v4  }
0x110: {  	s3 =	sadd.s32 s19, s3;
	s24 =	sshra.s32 s14, $0xC;
	s22 =	sshra.s32 s5, $0xC;
	v8 =	vmov s10;
	v9 =	vsel vm1, s15, v9;
	v4 =	vsel vm10, s23, v4  }
0x111: {  	s26 =	sshra.s32 s14, $0x1F;
	s21 =	sshrl.u32 s12, $0x1F;
	s12 =	sshra.s32 s12, $0xC;
	v8 =	vnsel vm4, $0x0, v8;
	v9 =	vsel vm2, s22, v9;
	v4 =	vsel vm1, s24, v4  }
0x112: {  	s13 =	sshrl.u32 s18, $0x1F;
	v5 =	vsel vm0, s21, v5;
	s25 =	sshrl.u32 s8, $0x1F;
	v7 =	vsel vm0, s12, v7;
	s12 =	sshra.s32 s3, $0xC;
	v4 =	vsel vm8, s26, v4  }
0x113: {  	s16 =	sshra.s32 s3, $0x1F;
	s8 =	sshra.s32 s8, $0xC;
	v8 =	vsel vm0, s13, v8;
	v5 =	vsel vm1, s25, v5;
	s31 =	sshrl.u32 s9, $0x1F;
	v4 =	vsel vm2, s12, v4  }
0x114: {  	s17 =	sshrl.u32 s4, $0x1F;
	s4 =	sshra.s32 s4, $0xC;
	s19 =	sshra.s32 s7, $0xC;
	v7 =	vsel vm1, s8, v7;
	v6 =	vsel vm1, s31, v6;
	v4 =	vsel vm13, s16, v4  }
0x115: {  	s18 =	sshrl.u32 s5, $0x1F;
	s21 =	sshra.s32 s7, $0x1F;
	v5 =	vsel vm2, s17, v5;
	s20 =	sshrl.u32 s14, $0x1F;
	v7 =	vsel vm2, s4, v7;
	v4 =	vsel vm5, s19, v4  }
0x116: {  	s3 =	sshrl.u32 s3, $0x1F;
	v6 =	vsel vm2, s18, v6;
	v8 =	vsel vm1, s20, v8;
	s23 =	sshra.s32 s6, $0xC;
	v4 =	vsel vm14, s21, v4  }
0x117: {  	s0 =	sadd.s32 s1, s0;
	s25 =	sshra.s32 s6, $0x1F;
	v7 =	vcombine.low v9, v7;
	v8 =	vsel vm2, s3, v8;
	s24 =	sshrl.u32 s7, $0x1F;
	v4 =	vsel vm6, s23, v4  }
0x118: {  	s31 =	sshra.s32 s0, $0xC;
	v5 =	vcombine.low v6, v5;
	v6 =	vsel vm5, s24, v8;
	s26 =	sshrl.u32 s6, $0x1F;
	v4 =	vsel vm15, s25, v4  }
0x119: {  	s4 =	sshrl.u32 s0, $0x1F;
	s0 =	sshra.s32 s0, $0x1F;
	v6 =	vsel vm6, s26, v6;
	v4 =	vsel vm7, s31, v4  }
0x11a: {  	s5 =	sshrl.u32 s2, $0x1F;
	s6 =	sshra.s32 s2, $0xC;
	v7 =	vperm.xlane v7, v0;
	v6 =	vsel vm7, s4, v6;
	v4 =	vsel vm3, s0, v4  }
0x11b: {  	v5 =	vperm.xlane v5, v0;
	v6 =	vsel vm11, s5, v6;
	v4 =	vsel vm11, s6, v4  }
0x11c: {  	v6 =	vperm.xlane v6, v1;
	v4 =	vperm.xlane v4, v1;
	_ =	sdelay $0x1  }
0x11d: {  	v5 =	vsel vm12, v6, v5;
	v4 =	vsel vm12, v4, v7  }
0x11e: {  	v4 =	vadd.s32 v5, v4  }
0x11f: {  	v4 =	vmul.u32 $0x3D09, v4;
	_ =	sdelay $0x1  }
0x120: {  	v3 =	vsub.s32 v3, v4  }
0x121: {  	v2 =	vmul.u32 $0x11, v2;
	vm9 =	vlt.s32 v3, $0x0;
	v4 =	vadd.s32 $0x3D09, v3  }
0x122: {  	v3 =	vsel vm9, v4, v3  }
0x123: {  	v2 =	vsub.s32 v2, v3  }
0x124: {  	v2 =	vmul.u32 $0x19, v2;
	_ =	sdelay $0x1  }
0x125: {  	v2 =	vand.u32 $0x1F, v2  }
0x126: {  	v2 =	vmul.u32 $0x3D09, v2  }
0x127: {  	s8 =	sld [smem:$0x7FD]  }
0x128: {  	s29 =	simm.s32 $0x0;
	v2 =	vadd.s32 v3, v2  }
0x129: {  	s10 =	simm.s32 $0x800;
	s9 =	simm.s32 $0x400;
	s7 =	simm.s32 $0x0;
	[tilespmem:s30+$0x800] =	vst v2  }
0x12a: {  	[tilespmem:s7], [sflag:$0x1] =	stream.indirect.gather [hbm4b:s8+s9], $0x1, s10, s9, $0xb8;
	[tilespmem:$0x1000] =	vst v63  }
0x12b: {  	v2 =	vld [tilespmem:s29+$0x400];
	_ =	sdelay $0x4  }
0x12c: {  	(v2sf) =	vpush v2, $0xF  }
0x12d: {  	(v2sf) =	vpush v2, $0xB;
	_ =	sdelay $0x1  }
0x12e: {  	(v2sf) =	vpush v2, $0x6;
	_ =	sdelay $0x1  }
0x12f: {  	(v2sf) =	vpush v2, $0xE;
	_ =	sdelay $0x1  }
0x130: {  	(v2sf) =	vpush v2, $0xA;
	_ =	sdelay $0x1  }
0x131: {  	(v2sf) =	vpush v2, $0xD;
	_ =	sdelay $0x1  }
0x132: {  	(v2sf) =	vpush v2, $0x9;
	_ =	sdelay $0x1  }
0x133: {  	(v2sf) =	vpush v2, $0x5;
	_ =	sdelay $0x1  }
0x134: {  	(v2sf) =	vpush v2, $0xC;
	s11 =	spop (v2sf)  }
0x135: {  	s2 =	smulhi.u32 $0x431BDE83, s11;
	s13 =	spop (v2sf)  }
0x136: {  	(v2sf) =	vpush v2, $0x8;
	s1 =	sshra.s32 s11, $0x1F;
	s4 =	smulhi.u32 $0x431BDE83, s13  }
0x137: {  	s0 =	spop (v2sf);
	s1 =	smul.u32 $0x431BDE83, s1  }
0x138: {  	(v2sf) =	vpush v2, $0x4;
	s3 =	sshra.s32 s13, $0x1F;
	s28 =	smulhi.u32 $0x431BDE83, s0  }
0x139: {  	s15 =	spop (v2sf);
	s23 =	smul.u32 $0x431BDE83, s3  }
0x13a: {  	(v2sf) =	vpush v2, $0x3;
	s0 =	sshra.s32 s0, $0x1F;
	s6 =	smulhi.u32 $0x431BDE83, s15  }
0x13b: {  	s24 =	spop (v2sf);
	s0 =	smul.u32 $0x431BDE83, s0  }
0x13c: {  	s5 =	sshra.s32 s15, $0x1F;
	s8 =	smulhi.u32 $0x431BDE83, s24  }
0x13d: {  	(v2sf) =	vpush v2, $0x2;
	s25 =	spop (v2sf);
	s5 =	smul.u32 $0x431BDE83, s5  }
0x13e: {  	(v2sf) =	vpush v2, $0x1;
	s24 =	sshra.s32 s24, $0x1F;
	s10 =	smulhi.u32 $0x431BDE83, s25  }
0x13f: {  	s26 =	spop (v2sf);
	s9 =	smul.u32 $0x431BDE83, s24  }
0x140: {  	(v2sf) =	vpush v2, $0x0;
	s25 =	sshra.s32 s25, $0x1F;
	s12 =	smulhi.u32 $0x431BDE83, s26  }
0x141: {  	s30 =	spop (v2sf);
	s24 =	smul.u32 $0x431BDE83, s25  }
0x142: {  	(v2sf) =	vpush v2, $0x7;
	s26 =	sshra.s32 s26, $0x1F;
	s14 =	smulhi.u32 $0x431BDE83, s30  }
0x143: {  	s31 =	spop (v2sf);
	s11 =	smul.u32 $0x431BDE83, s26  }
0x144: {  	s30 =	sshra.s32 s30, $0x1F;
	s16 =	smulhi.u32 $0x431BDE83, s31  }
0x145: {  	s17 =	spop (v2sf);
	s13 =	smul.u32 $0x431BDE83, s30  }
0x146: {  	s31 =	sshra.s32 s31, $0x1F;
	s19 =	smulhi.u32 $0x431BDE83, s17  }
0x147: {  	s18 =	spop (v2sf);
	s25 =	smul.u32 $0x431BDE83, s31  }
0x148: {  	s7 =	sadd.s32 s5, s6;
	s5 =	sshra.s32 s17, $0x1F;
	s21 =	smulhi.u32 $0x431BDE83, s18  }
0x149: {  	s20 =	spop (v2sf);
	s5 =	smul.u32 $0x431BDE83, s5  }
0x14a: {  	s18 =	sshra.s32 s18, $0x1F;
	s22 =	smulhi.u32 $0x431BDE83, s20  }
0x14b: {  	s6 =	sadd.s32 s9, s8;
	s9 =	smul.u32 $0x431BDE83, s18;
	s30 =	sshra.s32 s20, $0x1F  }
0x14c: {  	s12 =	sadd.s32 s11, s12;
	s11 =	smul.u32 $0x431BDE83, s30;
	s15 =	spop (v2sf)  }
0x14d: {  	s3 =	sadd.s32 s1, s2;
	s1 =	spop (v2sf);
	s26 =	smulhi.u32 $0x431BDE83, s15  }
0x14e: {  	s4 =	sadd.s32 s23, s4;
	s15 =	sshra.s32 s15, $0x1F;
	s17 =	smulhi.u32 $0x431BDE83, s1  }
0x14f: {  	s2 =	sadd.s32 s13, s14;
	s8 =	spop (v2sf);
	s13 =	smul.u32 $0x431BDE83, s15  }
0x150: {  	s18 =	sadd.s32 s24, s10;
	s1 =	sshra.s32 s1, $0x1F;
	s23 =	smulhi.u32 $0x431BDE83, s8  }
0x151: {  	s24 =	sadd.s32 s25, s16;
	s10 =	spop (v2sf);
	s25 =	smul.u32 $0x431BDE83, s1  }
0x152: {  	s31 =	smulhi.u32 $0x431BDE83, s10;
	s30 =	sshra.s32 s10, $0x1F  }
0x153: {  	s8 =	sshra.s32 s8, $0x1F;
	s1 =	smul.u32 $0x431BDE83, s30  }
0x154: {  	s20 =	sshrl.u32 s18, $0x1F;
	s14 =	sshra.s32 s24, $0xC;
	s8 =	smul.u32 $0x431BDE83, s8  }
0x155: {  	s15 =	sadd.s32 s5, s19;
	s5 =	sadd.s32 s9, s21;
	s1 =	sadd.s32 s1, s31  }
0x156: {  	s9 =	sadd.s32 s11, s22;
	s31 =	sadd.s32 s8, s23;
	s19 =	sshra.s32 s1, $0x1F  }
0x157: {  	s21 =	sshrl.u32 s24, $0x1F;
	s10 =	sadd.s32 s13, s26;
	s22 =	sshra.s32 s31, $0xC;
	v3 =	vmov s19  }
0x158: {  	vm3 =	vcmask $0x704;
	v4 =	vmov s14;
	s8 =	sadd.s32 s25, s17;
	s23 =	sshrl.u32 s15, $0x1F;
	s24 =	sshra.s32 s31, $0x1F;
	v3 =	vsel vm4, s22, v3  }
0x159: {  	v5 =	vmov s21;
	s25 =	sshra.s32 s15, $0xC;
	v8 =	vmov s23;
	s11 =	sshrl.u32 s31, $0x1F;
	s26 =	sshra.s32 s8, $0xC;
	v7 =	vsel vm3, s24, v3  }
0x15a: {  	s14 =	simm.s32 $0x40;
	s30 =	sshrl.u32 s12, $0x1F;
	v6 =	vmov s25;
	s31 =	sshra.s32 s8, $0x1F;
	v3 =	vmov s11;
	v9 =	vsel vm0, s26, v7  }
0x15b: {  	s12 =	sshra.s32 s12, $0xC;
	s13 =	sshra.s32 s10, $0xC;
	s11 =	sshra.s32 s18, $0xC;
	v7 =	vsel vm0, s20, v5;
	v5 =	vsel vm0, s30, v8;
	v8 =	vsel vm10, s31, v9  }
.LBB2_4:
0x15c: {  	v4 =	vsel vm0, s11, v4;
	v6 =	vsel vm0, s12, v6;
	v8 =	vsel vm1, s13, v8  }
0x15d: {  	[dreg:$0x5] =	wrdreg s14;
	p0 =	sne.s32 s14, $0xFC0;
	vm4 =	vcmask $0x300;
	vm13 =	vcmask $0x1F1C;
	vm5 =	vcmask $0x2320  }
0x15e: {  	s18 =	sshrl.u32 s7, $0x1F;
	s19 =	sshra.s32 s10, $0x1F;
	s20 =	sshrl.u32 s6, $0x1F;
	vm14 =	vcmask $0x2724;
	vm6 =	vcmask $0x2B28;
	vm15 =	vcmask $0x2F2C  }
0x15f: {  	s22 =	sshra.s32 s9, $0xC;
	s8 =	sshrl.u32 s8, $0x1F;
	s24 =	sshra.s32 s9, $0x1F;
	vm7 =	vcmask $0x3330;
	v7 =	vsel vm1, s18, v7;
	v3 =	vnsel vm4, $0x0, v3  }
0x160: {  	s25 =	sshrl.u32 s3, $0x1F;
	s26 =	sshrl.u32 s4, $0x1F;
	s31 =	sshrl.u32 s10, $0x1F;
	v8 =	vsel vm8, s19, v8;
	v5 =	vsel vm1, s20, v5;
	v3 =	vsel vm0, s8, v3  }
0x161: {  	s30 =	sshra.s32 s5, $0xC;
	s11 =	sshrl.u32 s9, $0x1F;
	s16 =	rddreg [dreg:$0x5];
	v8 =	vsel vm2, s22, v8;
	v7 =	vsel vm2, s25, v7;
	v3 =	vsel vm1, s31, v3  }
0x162: {  	s12 =	sshra.s32 s4, $0xC;
	s14 =	sshrl.u32 s5, $0x1F;
	v5 =	vsel vm2, s26, v5;
	s4 =	sshra.s32 s16, $0x2;
	v8 =	vsel vm13, s24, v8;
	v3 =	vsel vm2, s11, v3  }
0x163: {  	s21 =	sshra.s32 s7, $0xC;
	s23 =	sshra.s32 s6, $0xC;
	s10 =	sshra.s32 s5, $0x1F;
	v5 =	vcombine.low v5, v7;
	v8 =	vsel vm5, s30, v8;
	v7 =	vsel vm5, s14, v3;
	v3 =	vld [tilespmem:s4+$0x400]  }
0x164: {  	s13 =	sshra.s32 s2, $0xC;
	v4 =	vsel vm1, s21, v4;
	v6 =	vsel vm1, s23, v6;
	s8 =	sshra.s32 s3, $0xC;
	v8 =	vsel vm14, s10, v8  }
0x165: {  	s15 =	sshra.s32 s2, $0x1F;
	s0 =	sadd.s32 s0, s28;
	v6 =	vsel vm2, s12, v6;
	v4 =	vsel vm2, s8, v4;
	v8 =	vsel vm6, s13, v8  }
0x166: {  	vm3 =	vcmask $0x3734;
	s18 =	sshra.s32 s0, $0xC;
	v4 =	vcombine.low v6, v4;
	v8 =	vsel vm15, s15, v8  }
0x167: {  	s17 =	sshrl.u32 s2, $0x1F;
	vm8 =	vcmask $0x3B38;
	v5 =	vperm.xlane v5, v0;
	v6 =	vsel vm7, s18, v8;
	v8 =	vld [tilespmem:$0x1FFF0]  }
0x168: {  	s19 =	sshrl.u32 s0, $0x1F;
	s0 =	sshra.s32 s0, $0x1F;
	v7 =	vsel vm6, s17, v7;
	v4 =	vperm.xlane v4, v0;
	(v2sf) =	vpush v3, $0xF  }
0x169: {  	s20 =	sshrl.u32 s1, $0x1F;
	s21 =	sshra.s32 s1, $0xC;
	v7 =	vsel vm7, s19, v7;
	v6 =	vsel vm3, s0, v6;
	(v2sf) =	vpush v3, $0xB  }
0x16a: {  	v7 =	vsel vm8, s20, v7;
	v6 =	vsel vm8, s21, v6;
	(v2sf) =	vpush v3, $0x6  }
0x16b: {  	v7 =	vperm.xlane v7, v1;
	v6 =	vperm.xlane v6, v1  }
0x16c: {  	vm12 =	vnez.u8 v8;
	(v2sf) =	vpush v3, $0xE  }
0x16d: {  	v5 =	vsel vm12, v7, v5;
	v4 =	vsel vm12, v6, v4  }
0x16e: {  	(v2sf) =	vpush v3, $0xA;
	v4 =	vadd.s32 v5, v4  }
0x16f: {  	v4 =	vmul.u32 $0x3D09, v4  }
0x170: {  	(v2sf) =	vpush v3, $0xD  }
0x171: {  	v4 =	vsub.s32 v2, v4  }
0x172: {  	(v2sf) =	vpush v3, $0x9;
	vm9 =	vlt.s32 v4, $0x0;
	v5 =	vadd.s32 $0x3D09, v4  }
0x173: {  	v4 =	vsel vm9, v5, v4  }
0x174: {  	(v2sf) =	vpush v3, $0x5;
	v4 =	vmul.u32 $0x363E, v4  }
0x175: {  	(v2sf) =	vpush v3, $0xC  }
0x176: {  	(v2sf) =	vpush v4, $0xF  }
0x177: {  	[smem:$0x7E9] =	sst s29;
	(v2sf) =	vpush v4, $0xB;
	s22 =	spop (v2sf)  }
0x178: {  	s0 =	smulhi.u32 $0x431BDE83, s22;
	s23 =	spop (v2sf)  }
0x179: {  	[dreg:$0x7] =	wrdreg s4;
	(v2sf) =	vpush v4, $0x6;
	s24 =	spop (v2sf)  }
0x17a: {  	[dreg:$0xb] =	wrdreg s0;
	s0 =	smulhi.u32 $0x431BDE83, s23  }
0x17b: {  	[smem:$0x7E4] =	sst s22;
	s25 =	spop (v2sf)  }
0x17c: {  	(v2sf) =	vpush v4, $0xE;
	[dreg:$0x9] =	wrdreg s0;
	s0 =	smulhi.u32 $0x431BDE83, s24  }
0x17d: {  	[dreg:$0x1f] =	wrdreg s23;
	s26 =	spop (v2sf)  }
0x17e: {  	[smem:$0x7DF] =	sst s0;
	s0 =	smulhi.u32 $0x431BDE83, s25  }
0x17f: {  	[smem:$0x7E5] =	sst s24;
	s30 =	spop (v2sf)  }
0x180: {  	(v2sf) =	vpush v4, $0xA;
	[dreg:$0xd] =	wrdreg s0;
	s0 =	smulhi.u32 $0x431BDE83, s26  }
0x181: {  	(v2sf) =	vpush v4, $0xD;
	[smem:$0x7E6] =	sst s25;
	s31 =	spop (v2sf)  }
0x182: {  	[dreg:$0xf] =	wrdreg s0;
	s0 =	smulhi.u32 $0x431BDE83, s30  }
0x183: {  	(v2sf) =	vpush v4, $0x9;
	[smem:$0x7E7] =	sst s26;
	s1 =	spop (v2sf)  }
0x184: {  	s2 =	spop (v2sf);
	[dreg:$0x11] =	wrdreg s0  }
0x185: {  	(v2sf) =	vpush v4, $0x5;
	s0 =	smulhi.u32 $0x431BDE83, s31;
	s3 =	spop (v2sf)  }
0x186: {  	s11 =	smulhi.u32 $0x431BDE83, s3;
	s12 =	spop (v2sf)  }
0x187: {  	(v2sf) =	vpush v4, $0xC;
	[dreg:$0x13] =	wrdreg s0;
	s0 =	smulhi.u32 $0x431BDE83, s1  }
0x188: {  	s4 =	smulhi.u32 $0x431BDE83, s12;
	s5 =	spop (v2sf)  }
0x189: {  	(v2sf) =	vpush v4, $0x8;
	[dreg:$0x1b] =	wrdreg s1;
	s1 =	sshra.s32 s3, $0x1F;
	s10 =	smulhi.u32 $0x431BDE83, s5  }
0x18a: {  	s3 =	sshra.s32 s12, $0x1F;
	[smem:$0x7DC] =	sst s11;
	s13 =	smul.u32 $0x431BDE83, s1  }
0x18b: {  	(v2sf) =	vpush v4, $0x4;
	s11 =	spop (v2sf);
	s12 =	smul.u32 $0x431BDE83, s3  }
0x18c: {  	[dreg:$0x15] =	wrdreg s0;
	s0 =	smulhi.u32 $0x431BDE83, s2  }
0x18d: {  	(v2sf) =	vpush v4, $0x3;
	[smem:$0x7DD] =	sst s4;
	s9 =	smulhi.u32 $0x431BDE83, s11;
	s4 =	sshra.s32 s5, $0x1F  }
0x18e: {  	s5 =	sshra.s32 s11, $0x1F;
	[smem:$0x7E1] =	sst s10;
	s4 =	smul.u32 $0x431BDE83, s4  }
0x18f: {  	(v2sf) =	vpush v4, $0x2;
	s10 =	spop (v2sf);
	s11 =	smul.u32 $0x431BDE83, s5  }
0x190: {  	s15 =	smulhi.u32 $0x431BDE83, s10;
	s21 =	spop (v2sf)  }
0x191: {  	[smem:$0x7E8] =	sst s30;
	(v2sf) =	vpush v4, $0x1;
	s10 =	sshra.s32 s10, $0x1F;
	s19 =	smulhi.u32 $0x431BDE83, s21  }
0x192: {  	s25 =	spop (v2sf);
	s10 =	smul.u32 $0x431BDE83, s10  }
0x193: {  	(v2sf) =	vpush v4, $0x0;
	[smem:$0x7DE] =	sst s9;
	s21 =	sshra.s32 s21, $0x1F;
	s14 =	smulhi.u32 $0x431BDE83, s25  }
0x194: {  	s26 =	spop (v2sf);
	s9 =	smul.u32 $0x431BDE83, s21  }
0x195: {  	[dreg:$0x1a] =	wrdreg s31;
	(v2sf) =	vpush v4, $0x7;
	s25 =	sshra.s32 s25, $0x1F;
	s20 =	smulhi.u32 $0x431BDE83, s26  }
0x196: {  	s29 =	spop (v2sf);
	s21 =	smul.u32 $0x431BDE83, s25  }
0x197: {  	[dreg:$0x17] =	wrdreg s0;
	s1 =	sshra.s32 s26, $0x1F;
	s23 =	smulhi.u32 $0x431BDE83, s29  }
0x198: {  	s30 =	spop (v2sf);
	s5 =	smul.u32 $0x431BDE83, s1  }
0x199: {  	[smem:$0x7E2] =	sst s4;
	s3 =	sshra.s32 s29, $0x1F;
	s22 =	smulhi.u32 $0x431BDE83, s30  }
0x19a: {  	s9 =	sadd.s32 s9, s19;
	s31 =	spop (v2sf);
	s25 =	smul.u32 $0x431BDE83, s3  }
0x19b: {  	s19 =	sld [smem:$0x7DE];
	s4 =	sshra.s32 s30, $0x1F;
	s24 =	smulhi.u32 $0x431BDE83, s31  }
0x19c: {  	s0 =	spop (v2sf);
	s4 =	smul.u32 $0x431BDE83, s4  }
0x19d: {  	[dreg:$0x1d] =	wrdreg s2;
	s30 =	sshra.s32 s31, $0x1F;
	s18 =	smulhi.u32 $0x431BDE83, s0  }
0x19e: {  	s21 =	sadd.s32 s21, s14;
	s2 =	spop (v2sf);
	s3 =	smul.u32 $0x431BDE83, s30  }
0x19f: {  	s0 =	sshra.s32 s0, $0x1F;
	s11 =	sadd.s32 s11, s19;
	s16 =	smulhi.u32 $0x431BDE83, s2  }
0x1a0: {  	s19 =	sadd.s32 s10, s15;
	s6 =	spop (v2sf);
	s26 =	smul.u32 $0x431BDE83, s0  }
0x1a1: {  	s2 =	sshra.s32 s2, $0x1F;
	[smem:$0x7E0] =	sst s18;
	s18 =	smulhi.u32 $0x431BDE83, s6  }
0x1a2: {  	s25 =	sadd.s32 s25, s23;
	s7 =	spop (v2sf);
	s1 =	smul.u32 $0x431BDE83, s2  }
0x1a3: {  	s4 =	sadd.s32 s4, s22;
	s6 =	sshra.s32 s6, $0x1F;
	s17 =	smulhi.u32 $0x431BDE83, s7  }
0x1a4: {  	s10 =	sshrl.u32 s11, $0x1F;
	s8 =	spop (v2sf);
	s2 =	smul.u32 $0x431BDE83, s6  }
0x1a5: {  	s14 =	sadd.s32 s3, s24;
	s7 =	sshra.s32 s7, $0x1F;
	s28 =	smulhi.u32 $0x431BDE83, s8  }
0x1a6: {  	(v2sf) =	vpush v3, $0x8;
	s22 =	sshra.s32 s4, $0xC;
	s24 =	sshrl.u32 s9, $0x1F;
	s0 =	smul.u32 $0x431BDE83, s7  }
0x1a7: {  	(v2sf) =	vpush v3, $0x4;
	s8 =	sshra.s32 s8, $0x1F;
	s7 =	sld [smem:$0x7DC];
	s15 =	sadd.s32 s1, s16  }
0x1a8: {  	s8 =	smul.u32 $0x431BDE83, s8;
	s2 =	sadd.s32 s2, s18;
	s18 =	sshra.s32 s25, $0xC  }
0x1a9: {  	s0 =	sadd.s32 s0, s17;
	s17 =	sshrl.u32 s4, $0x1F;
	s23 =	sshra.s32 s2, $0xC  }
0x1aa: {  	(v2sf) =	vpush v3, $0x3;
	v8 =	vmov s18;
	s1 =	sshra.s32 s2, $0x1F;
	s4 =	sshra.s32 s21, $0xC;
	s18 =	sshrl.u32 s19, $0x1F  }
0x1ab: {  	(v2sf) =	vpush v3, $0x2;
	v10 =	vmov s22;
	s22 =	sshrl.u32 s2, $0x1F;
	s7 =	sadd.s32 s13, s7;
	s13 =	sld [smem:$0x7DD]  }
0x1ac: {  	(v2sf) =	vpush v3, $0x1;
	s8 =	sadd.s32 s8, s28;
	s16 =	sshra.s32 s0, $0xC;
	v7 =	vmov s17;
	s17 =	sshra.s32 s15, $0x1F  }
0x1ad: {  	v10 =	vsel vm0, s4, v10;
	s4 =	sld [smem:$0x7E4];
	s3 =	sshra.s32 s8, $0x1F;
	s2 =	sshrl.u32 s8, $0x1F  }
0x1ae: {  	v5 =	vmov s3;
	s3 =	sshra.s32 s9, $0xC;
	s9 =	sshra.s32 s15, $0xC;
	s12 =	sadd.s32 s12, s13  }
0x1af: {  	s13 =	sadd.s32 s5, s20;
	s5 =	sshrl.u32 s25, $0x1F;
	s20 =	sshra.s32 s0, $0x1F  }
0x1b0: {  	vm10 =	vcmask $0x704;
	v5 =	vsel vm4, s16, v5;
	s0 =	sshrl.u32 s0, $0x1F;
	s25 =	sshrl.u32 s21, $0x1F;
	s16 =	sld [smem:$0x7E0];
	v8 =	vsel vm0, s3, v8  }
0x1b1: {  	v6 =	vmov s5;
	v5 =	vsel vm10, s20, v5;
	v7 =	vsel vm0, s25, v7;
	s20 =	sshra.s32 s11, $0xC;
	s25 =	sshrl.u32 s7, $0x1F;
	s11 =	sshra.s32 s7, $0xC  }
0x1b2: {  	v9 =	vmov s0;
	s0 =	sshra.s32 s4, $0x1F;
	v5 =	vsel vm0, s23, v5;
	v7 =	vsel vm1, s18, v7;
	s23 =	sshra.s32 s19, $0xC;
	s18 =	sshra.s32 s13, $0xC  }
0x1b3: {  	v6 =	vsel vm0, s24, v6;
	v8 =	vsel vm1, s20, v8;
	s19 =	sshrl.u32 s14, $0x1F;
	s20 =	sld [smem:$0x7E1];
	s5 =	sadd.s32 s26, s16  }
0x1b4: {  	vm11 =	vcmask $0xF0C;
	v6 =	vsel vm1, s10, v6;
	s26 =	sshrl.u32 s12, $0x1F;
	s10 =	sshrl.u32 s15, $0x1F;
	s15 =	sshra.s32 s14, $0x1F  }
0x1b5: {  	v9 =	vnsel vm4, $0x0, v9;
	v5 =	vsel vm11, s1, v5;
	s29 =	spop (v2sf);
	s21 =	sshra.s32 s5, $0xC;
	s24 =	sshra.s32 s5, $0x1F  }
0x1b6: {  	vm9 =	vcmask $0x1714;
	v9 =	vsel vm0, s22, v9;
	v5 =	vsel vm1, s9, v5;
	s16 =	sshrl.u32 s5, $0x1F;
	s5 =	rddreg [dreg:$0x1f];
	s31 =	spop (v2sf)  }
0x1b7: {  	s22 =	sshra.s32 s13, $0x1F;
	s1 =	smul.u32 $0x431BDE83, s0;
	v6 =	vsel vm2, s25, v6;
	v9 =	vsel vm1, s10, v9;
	v5 =	vsel vm9, s17, v5;
	[smem:$0x7E3] =	sst s31  }
0x1b8: {  	v7 =	vsel vm2, s26, v7;
	s17 =	sshra.s32 s12, $0xC;
	v9 =	vsel vm2, s16, v9;
	s12 =	smulhi.u32 $0x431BDE83, s29;
	v5 =	vsel vm2, s21, v5;
	s21 =	sld [smem:$0x7E2]  }
0x1b9: {  	v10 =	vsel vm1, s23, v10;
	s23 =	sshrl.u32 s13, $0x1F;
	v6 =	vcombine.low v7, v6;
	s31 =	spop (v2sf);
	v7 =	vsel vm5, s19, v9;
	s19 =	sld [smem:$0x7E8]  }
0x1ba: {  	s9 =	sshra.s32 s14, $0xC;
	s30 =	spop (v2sf);
	v5 =	vsel vm13, s24, v5;
	s14 =	smulhi.u32 $0x431BDE83, s31  }
0x1bb: {  	s0 =	sshra.s32 s5, $0x1F;
	s6 =	spop (v2sf);
	v5 =	vsel vm5, s9, v5;
	s9 =	sld [smem:$0x7E5]  }
0x1bc: {  	v5 =	vsel vm14, s15, v5;
	s3 =	sadd.s32 s21, s20;
	s21 =	sld [smem:$0x7E3];
	s15 =	smulhi.u32 $0x431BDE83, s6  }
0x1bd: {  	v8 =	vsel vm2, s11, v8;
	(v2sf) =	vpush v3, $0x0;
	s5 =	sshra.s32 s19, $0x1F;
	v5 =	vsel vm6, s18, v5;
	s24 =	sshra.s32 s3, $0xC;
	s25 =	sshrl.u32 s3, $0x1F  }
0x1be: {  	v10 =	vsel vm2, s17, v10;
	(v2sf) =	vpush v3, $0x7;
	s26 =	sshra.s32 s3, $0x1F;
	s3 =	sshra.s32 s8, $0xC;
	s8 =	smulhi.u32 $0x431BDE83, s30;
	v5 =	vsel vm15, s22, v5  }
0x1bf: {  	v7 =	vsel vm6, s23, v7;
	v8 =	vcombine.low v10, v8;
	s5 =	smul.u32 $0x431BDE83, s5;
	v5 =	vsel vm7, s24, v5  }
0x1c0: {  	s10 =	sld [smem:$0x7E6];
	v6 =	vperm.xlane v6, v0;
	v7 =	vsel vm7, s25, v7;
	s13 =	smulhi.u32 $0x431BDE83, s21;
	v5 =	vsel vm3, s26, v5  }
0x1c1: {  	s28 =	sld [smem:$0x7DF];
	v8 =	vperm.xlane v8, v0;
	v7 =	vsel vm8, s2, v7;
	s2 =	smul.u32 $0x431BDE83, s0;
	s0 =	sshra.s32 s9, $0x1F;
	v5 =	vsel vm8, s3, v5  }
0x1c2: {  	s17 =	sld [smem:$0x7E7];
	v7 =	vperm.xlane v7, v1;
	s0 =	smul.u32 $0x431BDE83, s0;
	s26 =	sshra.s32 s31, $0x1F;
	v5 =	vperm.xlane v5, v1  }
0x1c3: {  	s25 =	sshra.s32 s21, $0x1F;
	s3 =	sshra.s32 s10, $0x1F;
	s21 =	smul.u32 $0x431BDE83, s26  }
0x1c4: {  	s23 =	rddreg [dreg:$0x1d];
	s31 =	sshra.s32 s30, $0x1F;
	v6 =	vsel vm12, v7, v6;
	s4 =	smul.u32 $0x431BDE83, s3;
	v5 =	vsel vm12, v5, v8  }
0x1c5: {  	s3 =	sshra.s32 s17, $0x1F;
	s17 =	sshra.s32 s23, $0x1F;
	s23 =	smul.u32 $0x431BDE83, s31;
	v5 =	vadd.s32 v6, v5  }
0x1c6: {  	s20 =	rddreg [dreg:$0x1a];
	s9 =	smul.u32 $0x431BDE83, s3;
	v5 =	vmul.u32 $0x3D09, v5  }
0x1c7: {  	s6 =	sshra.s32 s6, $0x1F;
	s24 =	sshra.s32 s29, $0x1F;
	s17 =	smul.u32 $0x431BDE83, s17  }
0x1c8: {  	s22 =	rddreg [dreg:$0x1b];
	s3 =	sshra.s32 s20, $0x1F;
	s20 =	smul.u32 $0x431BDE83, s24;
	v4 =	vsub.s32 v4, v5  }
0x1c9: {  	s26 =	rddreg [dreg:$0x7];
	s24 =	smul.u32 $0x431BDE83, s6;
	v5 =	vmul.u32 $0x11, v2;
	vm9 =	vlt.s32 v4, $0x0;
	v6 =	vadd.s32 $0x3D09, v4  }
0x1ca: {  	s29 =	smov.u32 s26;
	s31 =	rddreg [dreg:$0xb];
	s10 =	smul.u32 $0x431BDE83, s3;
	v2 =	vmov v3;
	v3 =	vsel vm9, v6, v4  }
0x1cb: {  	s26 =	rddreg [dreg:$0x9];
	s3 =	sshra.s32 s22, $0x1F;
	s22 =	smul.u32 $0x431BDE83, s25;
	v4 =	vsub.s32 v5, v3  }
0x1cc: {  	s25 =	sld [smem:$0x7E9];
	s7 =	spop (v2sf);
	v4 =	vmul.u32 $0x19, v4  }
0x1cd: {  	s19 =	smul.u32 $0x431BDE83, s3;
	s16 =	spop (v2sf)  }
0x1ce: {  	s11 =	smulhi.u32 $0x431BDE83, s16;
	s30 =	sshra.s32 s16, $0x1F;
	s16 =	rddreg [dreg:$0xf];
	v4 =	vand.u32 $0x1F, v4  }
0x1cf: {  	s3 =	sadd.s32 s1, s31;
	s1 =	smul.u32 $0x431BDE83, s30;
	s30 =	rddreg [dreg:$0x11];
	v4 =	vmul.u32 $0x3D09, v4  }
0x1d0: {  	s18 =	smulhi.u32 $0x431BDE83, s7;
	s6 =	sadd.s32 s9, s16;
	s9 =	rddreg [dreg:$0x15]  }
0x1d1: {  	s7 =	sshra.s32 s7, $0x1F;
	s31 =	sadd.s32 s5, s30;
	s5 =	rddreg [dreg:$0x13];
	v3 =	vadd.s32 v3, v4  }
0x1d2: {  	s12 =	sadd.s32 s20, s12;
	[tilespmem:s25+$0xC00] =	vst v3;
	s25 =	smul.u32 $0x431BDE83, s7;
	s7 =	rddreg [dreg:$0xd]  }
0x1d3: {  	s1 =	sadd.s32 s1, s11;
	s7 =	sadd.s32 s4, s7;
	s4 =	sadd.s32 s2, s26  }
0x1d4: {  	s26 =	sadd.s32 s10, s5;
	s2 =	sadd.s32 s19, s9;
	s10 =	rddreg [dreg:$0x17]  }
0x1d5: {  	s5 =	sadd.s32 s22, s13;
	s9 =	sadd.s32 s21, s14;
	s19 =	sshrl.u32 s31, $0x1F  }
0x1d6: {  	s21 =	sshrl.u32 s12, $0x1F;
	s17 =	sadd.s32 s17, s10;
	s10 =	sadd.s32 s23, s8  }
0x1d7: {  	s14 =	sadd.s32 s25, s18;
	s8 =	sadd.s32 s24, s15;
	s15 =	sshra.s32 s1, $0x1F  }
.Ltmp1:
0x1d8: {  	s12 =	sshra.s32 s12, $0xC;
	s18 =	sshra.s32 s14, $0xC;
	v3 =	vmov s15;
	(pc) =	sbr.rel @p0 .LBB2_4-.Ltmp1, $4  }
0x1d9: {  	vm8 =	vcmask $0x1714;
	v8 =	vmov s21;
	s25 =	sshrl.u32 s26, $0x1F;
	s20 =	sshrl.u32 s17, $0x1F;
	s23 =	sshra.s32 s14, $0x1F;
	v3 =	vsel vm4, s18, v3  }
0x1da: {  	v6 =	vmov s12;
	s22 =	sshra.s32 s17, $0xC;
	s11 =	sshrl.u32 s14, $0x1F;
	s24 =	sshra.s32 s8, $0xC;
	v5 =	vmov s20;
	v7 =	vsel vm10, s23, v3  }
0x1db: {  	s30 =	sshra.s32 s8, $0x1F;
	v4 =	vmov s22;
	v3 =	vmov s11;
	s11 =	sshra.s32 s31, $0xC;
	s31 =	rddreg [dreg:$0x5];
	v9 =	vsel vm0, s24, v7  }
0x1dc: {  	s12 =	sshra.s32 s26, $0xC;
	s13 =	sshra.s32 s10, $0xC;
	v7 =	vsel vm0, s19, v5;
	v5 =	vsel vm0, s25, v8;
	s14 =	sadd.s32 $0x40, s31;
	v8 =	vsel vm11, s30, v9  }
0x1dd: {  	v4 =	vsel vm0, s11, v4;
	v6 =	vsel vm0, s12, v6;
	v8 =	vsel vm1, s13, v8  }
0x1de: {  	vm4 =	vcmask $0x300;
	vm10 =	vcmask $0x1F1C;
	vm5 =	vcmask $0x2320  }
0x1df: {  	vm12 =	vcmask $0x2724;
	vm7 =	vcmask $0x2B28;
	vm13 =	vcmask $0x2F2C  }
0x1e0: {  	s14 =	sshrl.u32 s7, $0x1F;
	s12 =	sshra.s32 s10, $0x1F;
	vm6 =	vcmask $0x3330;
	vm3 =	vcmask $0x3734;
	vm11 =	vcmask $0x3B38  }
0x1e1: {  	s13 =	sshrl.u32 s6, $0x1F;
	s15 =	sshra.s32 s9, $0xC;
	s16 =	sshra.s32 s6, $0xC;
	v7 =	vsel vm1, s14, v7;
	v3 =	vnsel vm4, $0x0, v3;
	v8 =	vsel vm8, s12, v8  }
0x1e2: {  	s8 =	sshrl.u32 s8, $0x1F;
	s17 =	sshra.s32 s9, $0x1F;
	s14 =	sshra.s32 s7, $0xC;
	v5 =	vsel vm1, s13, v5;
	v6 =	vsel vm1, s16, v6;
	v8 =	vsel vm2, s15, v8  }
0x1e3: {  	s18 =	sshrl.u32 s3, $0x1F;
	s19 =	sshrl.u32 s4, $0x1F;
	s20 =	sshra.s32 s5, $0xC;
	v4 =	vsel vm1, s14, v4;
	v3 =	vsel vm0, s8, v3;
	v8 =	vsel vm10, s17, v8  }
0x1e4: {  	s21 =	sshrl.u32 s10, $0x1F;
	s23 =	sshra.s32 s5, $0x1F;
	s25 =	sshra.s32 s4, $0xC;
	v7 =	vsel vm2, s18, v7;
	v5 =	vsel vm2, s19, v5;
	v8 =	vsel vm5, s20, v8  }
0x1e5: {  	s22 =	sshra.s32 s3, $0xC;
	s24 =	sshrl.u32 s9, $0x1F;
	s26 =	sshra.s32 s2, $0xC;
	v6 =	vsel vm2, s25, v6;
	v3 =	vsel vm1, s21, v3;
	v8 =	vsel vm12, s23, v8  }
0x1e6: {  	s30 =	sshrl.u32 s5, $0x1F;
	s0 =	sadd.s32 s0, s28;
	s31 =	sshra.s32 s2, $0x1F;
	v4 =	vsel vm2, s22, v4;
	v3 =	vsel vm2, s24, v3;
	v8 =	vsel vm7, s26, v8  }
0x1e7: {  	s4 =	sshrl.u32 s2, $0x1F;
	v55 =	vld [tilespmem:$0x1FFF0];
	s5 =	sshra.s32 s0, $0xC;
	v5 =	vcombine.low v5, v7;
	v3 =	vsel vm5, s30, v3;
	v53 =	vsel vm13, s31, v8  }
0x1e8: {  	s6 =	sshrl.u32 s0, $0x1F;
	s0 =	sshra.s32 s0, $0x1F;
	v4 =	vcombine.low v6, v4;
	v3 =	vsel vm7, s4, v3;
	v54 =	vsel vm6, s5, v53  }
0x1e9: {  	s7 =	sshrl.u32 s1, $0x1F;
	s8 =	sshra.s32 s1, $0xC;
	v5 =	vperm.xlane v5, v0;
	v3 =	vsel vm6, s6, v3;
	v6 =	vsel vm3, s0, v54  }
0x1ea: {  	v4 =	vperm.xlane v4, v0;
	v3 =	vsel vm11, s7, v3;
	v6 =	vsel vm11, s8, v6  }
0x1eb: {  	v3 =	vperm.xlane v3, v1;
	v6 =	vperm.xlane v6, v1  }
0x1ec: {  	vm14 =	vnez.u8 v55  }
0x1ed: {  	v3 =	vsel vm14, v3, v5;
	v4 =	vsel vm14, v6, v4  }
0x1ee: {  	v3 =	vadd.s32 v3, v4  }
0x1ef: {  	v3 =	vmul.u32 $0x3D09, v3;
	_ =	sdelay $0x1  }
0x1f0: {  	v3 =	vsub.s32 v2, v3  }
0x1f1: {  	vm9 =	vlt.s32 v3, $0x0;
	v56 =	vadd.s32 $0x3D09, v3  }
0x1f2: {  	v3 =	vsel vm9, v56, v3  }
0x1f3: {  	v3 =	vmul.u32 $0x363E, v3;
	_ =	sdelay $0x1  }
0x1f4: {  	(v2sf) =	vpush v3, $0xF  }
0x1f5: {  	(v2sf) =	vpush v3, $0xB;
	_ =	sdelay $0x1  }
0x1f6: {  	(v2sf) =	vpush v3, $0x6;
	_ =	sdelay $0x1  }
0x1f7: {  	(v2sf) =	vpush v3, $0xE;
	_ =	sdelay $0x1  }
0x1f8: {  	(v2sf) =	vpush v3, $0xA;
	_ =	sdelay $0x1  }
0x1f9: {  	(v2sf) =	vpush v3, $0xD;
	_ =	sdelay $0x1  }
0x1fa: {  	(v2sf) =	vpush v3, $0x9;
	_ =	sdelay $0x1  }
0x1fb: {  	(v2sf) =	vpush v3, $0x5;
	_ =	sdelay $0x1  }
0x1fc: {  	(v2sf) =	vpush v3, $0xC;
	s9 =	spop (v2sf)  }
0x1fd: {  	s2 =	smulhi.u32 $0x431BDE83, s9;
	s11 =	spop (v2sf)  }
0x1fe: {  	(v2sf) =	vpush v3, $0x8;
	s1 =	sshra.s32 s9, $0x1F;
	s4 =	smulhi.u32 $0x431BDE83, s11  }
0x1ff: {  	s13 =	spop (v2sf);
	s24 =	smul.u32 $0x431BDE83, s1  }
0x200: {  	(v2sf) =	vpush v3, $0x4;
	s3 =	sshra.s32 s11, $0x1F;
	s0 =	smulhi.u32 $0x431BDE83, s13  }
0x201: {  	s26 =	spop (v2sf);
	s25 =	smul.u32 $0x431BDE83, s3  }
0x202: {  	(v2sf) =	vpush v3, $0x3;
	s5 =	sshra.s32 s13, $0x1F;
	s8 =	smulhi.u32 $0x431BDE83, s26  }
0x203: {  	s28 =	spop (v2sf);
	s1 =	smul.u32 $0x431BDE83, s5  }
0x204: {  	s7 =	sshra.s32 s26, $0x1F;
	s10 =	smulhi.u32 $0x431BDE83, s28  }
0x205: {  	(v2sf) =	vpush v3, $0x2;
	s30 =	spop (v2sf);
	s5 =	smul.u32 $0x431BDE83, s7  }
0x206: {  	(v2sf) =	vpush v3, $0x1;
	s26 =	sshra.s32 s28, $0x1F;
	s12 =	smulhi.u32 $0x431BDE83, s30  }
0x207: {  	(v2sf) =	vpush v3, $0x0;
	s31 =	spop (v2sf);
	s11 =	smul.u32 $0x431BDE83, s26  }
0x208: {  	(v2sf) =	vpush v3, $0x7;
	s28 =	sshra.s32 s30, $0x1F;
	s14 =	smulhi.u32 $0x431BDE83, s31  }
0x209: {  	s15 =	spop (v2sf);
	s7 =	smul.u32 $0x431BDE83, s28  }
0x20a: {  	s30 =	sshra.s32 s31, $0x1F;
	s16 =	smulhi.u32 $0x431BDE83, s15  }
0x20b: {  	s17 =	spop (v2sf);
	s26 =	smul.u32 $0x431BDE83, s30  }
0x20c: {  	s31 =	sshra.s32 s15, $0x1F;
	s18 =	smulhi.u32 $0x431BDE83, s17  }
0x20d: {  	s3 =	sadd.s32 s24, s2;
	s19 =	spop (v2sf);
	s24 =	smul.u32 $0x431BDE83, s31  }
0x20e: {  	s9 =	sshra.s32 s17, $0x1F;
	s20 =	smulhi.u32 $0x431BDE83, s19  }
0x20f: {  	s2 =	sadd.s32 s25, s4;
	s21 =	spop (v2sf);
	s4 =	smul.u32 $0x431BDE83, s9  }
0x210: {  	s25 =	sshra.s32 s19, $0x1F;
	s22 =	smulhi.u32 $0x431BDE83, s21  }
0x211: {  	s23 =	spop (v2sf);
	s30 =	smul.u32 $0x431BDE83, s25  }
0x212: {  	s9 =	sadd.s32 s5, s8;
	s21 =	sshra.s32 s21, $0x1F;
	s6 =	smulhi.u32 $0x431BDE83, s23  }
0x213: {  	s18 =	sadd.s32 s4, s18;
	s23 =	sshra.s32 s23, $0x1F;
	s4 =	smul.u32 $0x431BDE83, s21  }
0x214: {  	s5 =	sadd.s32 s24, s16;
	s16 =	smul.u32 $0x431BDE83, s23;
	s13 =	spop (v2sf)  }
0x215: {  	s12 =	sadd.s32 s7, s12;
	s15 =	smulhi.u32 $0x431BDE83, s13;
	s28 =	spop (v2sf)  }
0x216: {  	s8 =	sadd.s32 s11, s10;
	s17 =	smulhi.u32 $0x431BDE83, s28;
	s7 =	spop (v2sf)  }
0x217: {  	s14 =	sadd.s32 s26, s14;
	s19 =	smulhi.u32 $0x431BDE83, s7;
	s31 =	spop (v2sf)  }
0x218: {  	s10 =	sadd.s32 s30, s20;
	s25 =	smulhi.u32 $0x431BDE83, s31;
	s11 =	sshra.s32 s31, $0x1F  }
0x219: {  	s21 =	sshrl.u32 s18, $0x1F;
	s26 =	sshra.s32 s7, $0x1F;
	s11 =	smul.u32 $0x431BDE83, s11  }
0x21a: {  	s23 =	sshrl.u32 s10, $0x1F;
	s13 =	sshra.s32 s13, $0x1F;
	s20 =	smul.u32 $0x431BDE83, s26  }
0x21b: {  	s30 =	sshra.s32 s28, $0x1F;
	s7 =	sadd.s32 s4, s22;
	s4 =	sadd.s32 s11, s25  }
0x21c: {  	s19 =	sadd.s32 s20, s19;
	s11 =	smul.u32 $0x431BDE83, s30;
	s31 =	sshra.s32 s4, $0x1F  }
0x21d: {  	vm9 =	vcmask $0x704;
	s10 =	sshra.s32 s10, $0xC;
	s13 =	smul.u32 $0x431BDE83, s13;
	s22 =	sshra.s32 s19, $0xC;
	v57 =	vmov s31  }
0x21e: {  	v58 =	vmov s21;
	s21 =	sshra.s32 s14, $0xC;
	v9 =	vmov s10;
	s24 =	sshra.s32 s19, $0x1F;
	s11 =	sadd.s32 s11, s17;
	v4 =	vsel vm4, s22, v57  }
0x21f: {  	v59 =	vmov s23;
	v9 =	vsel vm0, s21, v9;
	s13 =	sadd.s32 s13, s15;
	s25 =	sshra.s32 s18, $0xC;
	s28 =	sshra.s32 s11, $0xC;
	v4 =	vsel vm9, s24, v4  }
0x220: {  	s26 =	sshrl.u32 s19, $0x1F;
	s30 =	sshrl.u32 s12, $0x1F;
	v60 =	vmov s25;
	s31 =	sshra.s32 s11, $0x1F;
	vm9 =	vcmask $0xF0C;
	v4 =	vsel vm0, s28, v4  }
0x221: {  	s20 =	sshra.s32 s12, $0xC;
	s18 =	sshrl.u32 s14, $0x1F;
	s19 =	sshra.s32 s13, $0xC;
	v61 =	vmov s26;
	v5 =	vsel vm0, s30, v58;
	v4 =	vsel vm9, s31, v4  }
0x222: {  	s6 =	sadd.s32 s16, s6;
	s23 =	sshrl.u32 s9, $0x1F;
	v6 =	vsel vm0, s18, v59;
	v7 =	vsel vm0, s20, v60;
	s22 =	sshra.s32 s13, $0x1F;
	v4 =	vsel vm1, s19, v4  }
0x223: {  	s9 =	sshra.s32 s9, $0xC;
	s25 =	sshra.s32 s6, $0xC;
	s30 =	sshrl.u32 s3, $0x1F;
	v5 =	vsel vm1, s23, v5;
	v8 =	vnsel vm4, $0x0, v61;
	v4 =	vsel vm8, s22, v4  }
0x224: {  	s3 =	sshra.s32 s3, $0xC;
	s26 =	sshrl.u32 s11, $0x1F;
	v7 =	vsel vm1, s9, v7;
	v5 =	vsel vm2, s30, v5;
	s28 =	sshra.s32 s6, $0x1F;
	v4 =	vsel vm2, s25, v4  }
0x225: {  	s24 =	sshrl.u32 s8, $0x1F;
	s8 =	sshra.s32 s8, $0xC;
	v8 =	vsel vm0, s26, v8;
	v7 =	vsel vm2, s3, v7;
	s31 =	sshra.s32 s7, $0xC;
	v4 =	vsel vm10, s28, v4  }
0x226: {  	s12 =	sshrl.u32 s2, $0x1F;
	s14 =	sshra.s32 s7, $0x1F;
	s13 =	sshrl.u32 s13, $0x1F;
	v6 =	vsel vm1, s24, v6;
	v9 =	vsel vm1, s8, v9;
	v4 =	vsel vm5, s31, v4  }
0x227: {  	s15 =	sshra.s32 s5, $0xC;
	s2 =	sshra.s32 s2, $0xC;
	v8 =	vsel vm1, s13, v8;
	s6 =	sshrl.u32 s6, $0x1F;
	v6 =	vsel vm2, s12, v6;
	v4 =	vsel vm12, s14, v4  }
0x228: {  	s0 =	sadd.s32 s1, s0;
	s16 =	sshrl.u32 s7, $0x1F;
	s17 =	sshra.s32 s5, $0x1F;
	v8 =	vsel vm2, s6, v8;
	v9 =	vsel vm2, s2, v9;
	v4 =	vsel vm7, s15, v4  }
0x229: {  	s18 =	sshrl.u32 s5, $0x1F;
	v8 =	vsel vm5, s16, v8;
	s19 =	sshra.s32 s0, $0xC;
	v5 =	vcombine.low v6, v5;
	v4 =	vsel vm13, s17, v4  }
0x22a: {  	s20 =	sshrl.u32 s0, $0x1F;
	v62 =	vcombine.low v9, v7;
	s0 =	sshra.s32 s0, $0x1F;
	v8 =	vsel vm7, s18, v8;
	v4 =	vsel vm6, s19, v4  }
0x22b: {  	s21 =	sshrl.u32 s4, $0x1F;
	s22 =	sshra.s32 s4, $0xC;
	v63 =	vsel vm6, s20, v8;
	v5 =	vperm.xlane v5, v0;
	v4 =	vsel vm3, s0, v4  }
0x22c: {  	v6 =	vperm.xlane v62, v0;
	v7 =	vsel vm11, s21, v63;
	v4 =	vsel vm11, s22, v4  }
0x22d: {  	v7 =	vperm.xlane v7, v1;
	v4 =	vperm.xlane v4, v1;
	_ =	sdelay $0x1  }
0x22e: {  	v5 =	vsel vm14, v7, v5;
	v4 =	vsel vm14, v4, v6  }
0x22f: {  	v4 =	vadd.s32 v5, v4  }
0x230: {  	v4 =	vmul.u32 $0x3D09, v4;
	_ =	sdelay $0x1  }
0x231: {  	v3 =	vsub.s32 v3, v4  }
0x232: {  	v2 =	vmul.u32 $0x11, v2;
	vm9 =	vlt.s32 v3, $0x0;
	v4 =	vadd.s32 $0x3D09, v3  }
0x233: {  	v3 =	vsel vm9, v4, v3  }
0x234: {  	v2 =	vsub.s32 v2, v3  }
0x235: {  	v2 =	vmul.u32 $0x19, v2;
	_ =	sdelay $0x1  }
0x236: {  	v2 =	vand.u32 $0x1F, v2  }
0x237: {  	v2 =	vmul.u32 $0x3D09, v2  }
0x238: {  	s23 =	sld [smem:$0x7FD]  }
0x239: {  	v2 =	vadd.s32 v3, v2  }
0x23a: {  	s26 =	simm.s32 $0x1;
	s24 =	simm.s32 $0x400;
	s25 =	simm.s32 $0xC00;
	[tilespmem:s29+$0xC00] =	vst v2  }
0x23b: {  	[tilespmem:s24], [sflag:$0x1] =	stream.indirect.gather [hbm4b:s23+s24], $0x1, s25, s24, $0xb8;
	[tilespmem:$0x1000] =	vst v63  }
0x23c: {  	_ =	swait.ge [sflag:s26], $0x400  }
0x23d: {  	s28 =	sld [smem:$0x7FA]  }
0x23e: {  	[sflag:s26] =	ssyncset.done $0x0  }
0x23f: {  	s1 =	simm.s32 $0x2;
	s6 =	simm.s32 $0x0;
	[sflag:s26] =	ssyncadd.s32 $0xFFFFFC00  }
0x240: {  	[hbm4b:s28+s6] =	stream.linear.scatter [tilespmem:s6], [sflag:$0x2], $0x400, $0x38;
	[tilespmem:$0x1000] =	vst v63  }
0x241: {  	_ =	swait.ge [sflag:s1], $0x400  }
0x242: {  	[sflag:s1] =	ssyncset.done $0x0  }
0x243: {  	[sflag:s1] =	ssyncadd.s32 $0xFFFFFC00  }
0x244: {  	_ =	swait.ge [sflag:s26], $0x400  }
0x245: {  	s29 =	sld [smem:$0x7FB]  }
0x246: {  	[sflag:s26] =	ssyncset.done $0x0  }
0x247: {  	[sflag:s26] =	ssyncadd.s32 $0xFFFFFC00  }
0x248: {  	[hbm4b:s29+s6] =	stream.linear.scatter [tilespmem:s24], [sflag:$0x2], $0x400, $0x38;
	[tilespmem:$0x1000] =	vst v63  }
0x249: {  	_ =	swait.ge [sflag:s1], $0x400  }
0x24a: {  	s30 =	sld [smem:$0x7F8]  }
0x24b: {  	s31 =	sld [smem:$0x7FC];
	_ =	sdelay $0x1  }
0x24c: {  	s2 =	sadd.s32 $0x1, s30  }
0x24d: {  	p0 =	sne.s32 s2, s31  }
.Ltmp2:
0x24e: {  	_ = 	snop;
	(pc) =	sbr.rel @p0 .LBB2_1-.Ltmp2, $3  }
0x24f: {  	_ =	sdelay $0x1  }
0x250: {  	[sflag:s1] =	ssyncset.done $0x0  }
0x251: {  	[sflag:s1] =	ssyncadd.s32 $0xFFFFFC00  }
0x252: {  	_ =	sfence.sel $0x180000  }
0x253: {  	[bflag:$0x0] =	sbarrier.arrive $0xFFFF  }
0x254: {  	_ =	strace $0x90000047  }
0x255: {  	s0 =	stileid.u32;
	[bflag:$0x2] =	sbarrier.arrive $0xFFFF  }
0x256: {  	p0 =	sne.s32 s0, $0x0;
	s0 =	rddreg [dreg:$0x3]  }
0x257: {  	s0 =	sadd.s32 @!p0 $0x100000, s0  }
0x258: {  	[sflag:s0] =	ssyncadd.tile.s32 @!p0 $0x1;
	_ =	shalt  }
.Lfunc_end2:
_tile_overlayer_lowered:
.L_overlay_start_2:
0x259: {  	(tag) =	ssettag $0x2  }
0x25a: {  	s0 =	rddreg [dreg:$0x0];
	s2 =	stileid.u32  }
0x25b: {  	s1 =	rddreg [dreg:$0x1];
	p0 =	sne.s32 s2, $0x0  }
0x25c: {  	s3 =	rddreg [dreg:$0x2];
	[bflag:$0x3] =	sbarrier.arrive $0xFFFF;
	s2 =	simm.s32 @!p0 $0x1C02  }
0x25d: {  	[timem:s3], [sflag:s2] =	dma.local @!p0 [hbm:s0], s1  }
0x25e: {  	s0 =	simm.s32 @!p0 $0x2  }
0x25f: {  	_ =	swait.ge @!p0 [sflag:s0], s1  }
0x260: {  	s1 =	ssub.s32 @!p0 $0x0, s1;
	[sflag:s0] =	ssyncset.done @!p0 $0x0  }
0x261: {  	[sflag:s0] =	ssyncadd.s32 @!p0 s1  }
0x262: {  	[bflag:$0x3] =	sbarrier.arrive $0xFFFF  }
0x263: {  	_ =	shalt  }

</sc_bundles>
